<compile_context>
chip_gen: v7x
topology: tpu7x:2x2x1
jax: 0.10.2.dev20260603
libtpu: 0.0.44.dev20260713+nightly
codegen_flags: <defaults>
</compile_context>

<pallas_src>
import functools

import jax
import jax.numpy as jnp
from jax import lax
from jax.experimental import pallas as pl
from jax.experimental.pallas import tpu as pltpu
from jax.experimental.pallas import tpu_sc as plsc

N_ITEMS = 100000
L = 8
TOTAL = N_ITEMS * L
N_CAT = 100000
D = 64
B = 16384

NW = 32
NS = 16
IPW = B // NW
HIPW = IPW // 2
CH = 16
NCH = IPW // CH
NBUF = 3
LANES = 16


def _make_kernel():
    mesh = plsc.VectorSubcoreMesh(core_axis_name="c", subcore_axis_name="s")

    @functools.partial(
        pl.kernel,
        out_type=jax.ShapeDtypeStruct((B, D), jnp.float32),
        mesh=mesh,
        compiler_params=pltpu.CompilerParams(needs_layout_passes=False,
                                             use_tc_tiling_on_sc=False),
        scratch_types=[
            pltpu.VMEM((4, 128), jnp.int32),
            pltpu.VMEM((4, 128), jnp.int32),
            pltpu.VMEM((IPW, 64), jnp.int32),
            pltpu.VMEM((NCH, 128), jnp.int32),
            pltpu.VMEM((NCH, 128), jnp.int32),
            pltpu.VMEM((NBUF, CH * L, D), jnp.float32),
            pltpu.VMEM((CH * L, D), jnp.float32),
            pltpu.VMEM_SHARED((NS * IPW, D), jnp.float32),
            pltpu.SemaphoreType.DMA,
            pltpu.SemaphoreType.DMA((NBUF,)),
            pltpu.SemaphoreType.DMA,
        ],
    )
    def embed_bag(items_hbm, ids_hbm, table_hbm, out_hbm,
                  items_v, items_q, ids_a, ids_v, slot_v, rows_v, zbuf,
                  acc_sh, sem_i, sem_r, sem_z):
        cid = lax.axis_index("c")
        sx = lax.axis_index("s")
        wid = sx * 2 + cid

        pltpu.sync_copy(items_hbm.at[wid], items_v)

        for g in range(4):
            for r in range(128 // LANES):
                sl = pl.ds(16 * r, 16)
                items_q[g, sl] = items_v[g, sl] >> 3

        for g in range(4):
            pltpu.async_copy(ids_hbm.at[items_q.at[g]],
                             ids_a.at[pl.ds(128 * g, 128)], sem_i)

        zero = jnp.zeros((LANES,), jnp.float32)

        def zbody(r, carry):
            for g4 in range(D // LANES):
                zbuf[r, pl.ds(LANES * g4, LANES)] = zero
            return carry

        lax.fori_loop(0, CH * L, zbody, 0)
        plsc.subcore_barrier()

        for g in range(4):
            pltpu.make_async_copy(ids_hbm.at[items_q.at[g]],
                                  ids_a.at[pl.ds(128 * g, 128)], sem_i).wait()

        lane = lax.iota(jnp.int32, LANES)

        def repack(c, carry):
            for r in range(128 // LANES):
                q = 128 * c + 16 * r + lane
                i = q >> 3
                v = plsc.load_gather(items_v, [i >> 7, i & 127])
                col = ((v & 7) << 3) | (q & 7)
                ids_v[c, pl.ds(16 * r, 16)] = (
                    plsc.load_gather(ids_a, [i, col]) << 1)
                slot_v[c, pl.ds(16 * r, 16)] = sx * IPW + i
            return carry

        lax.fori_loop(0, NCH, repack, 0)

        def start_rows(c, b):
            pltpu.async_copy(table_hbm.at[ids_v.at[c]], rows_v.at[b],
                             sem_r.at[b])

        def wait_rows(b):
            pltpu.make_async_copy(table_hbm.at[ids_v.at[0]],
                                  rows_v.at[b], sem_r.at[b]).wait()

        for k in range(IPW // (CH * L)):
            pltpu.async_copy(
                zbuf, acc_sh.at[pl.ds(sx * IPW + 128 * k, 128)], sem_z)
        for k in range(IPW // (CH * L)):
            pltpu.make_async_copy(
                zbuf, acc_sh.at[pl.ds(sx * IPW, 128)], sem_z).wait()

        for b in range(NBUF):
            start_rows(b, b)

        def chunk_step(c, b):
            wait_rows(b)
            pltpu.async_copy(rows_v.at[b], acc_sh.at[slot_v.at[c]],
                             sem_r.at[b], add=True).wait()
            nc = c + NBUF

            @pl.when(nc < NCH)
            def _():
                start_rows(nc, b)

        def body(k, carry):
            for b in range(NBUF):
                chunk_step(k * NBUF + b, b)
            return carry

        lax.fori_loop(0, NCH // NBUF, body, 0)
        for t in range(NCH % NBUF):
            chunk_step(NCH - NCH % NBUF + t, t)

        plsc.subcore_barrier()
        pltpu.sync_copy(acc_sh.at[pl.ds(sx * IPW, IPW)],
                        out_hbm.at[pl.ds(wid * IPW, IPW)])

    return embed_bag


_embed_bag = _make_kernel()


def kernel(items, emb_bag_inputs, offsets, input_lengths, length_range,
           emb_weight):
    items_i = items.astype(jnp.int32).reshape(NW, 4, 128)
    ids_flat = emb_bag_inputs.astype(jnp.int32).reshape(TOTAL // 64, 64)
    table_pad = jnp.pad(emb_weight, ((0, 0), (0, 128 - D))).reshape(
        2 * N_CAT, D)
    sums = _embed_bag(items_i, ids_flat, table_pad)
    return sums * jnp.float32(1.0 / L)

# --- scband reference (transcript-rebuilt; emitter-appended) ---
"""Pipeline reference for scband-cat-features-item-net-67130338836988 (READ-ONLY COPY).

The authoritative reference and input builder live on the scoring server;
editing this copy changes nothing except your own understanding.
"""

import jax, jax.numpy as jnp
import numpy as np

# Config (RECSYS pool): 100000 items (vocab), 8 categorical feature values per item,
# 100000 distinct categorical feature values, n_factors=64, batch=16384 item ids.
N_ITEMS = 100000
L = 8                      # uniform number of cat features per item
TOTAL = N_ITEMS * L        # 800000 flat emb-bag inputs
N_CAT = 100000             # n_cat_feature_values (EmbeddingBag rows)
D = 64                     # n_factors
B = 16384                  # batch of internal item ids


def setup_inputs(seed: int = 0) -> dict:
    key = jax.random.key(seed)
    k1, k2, k3 = jax.random.split(key, 3)
    items = jax.random.randint(k1, (B,), 0, N_ITEMS)
    # Constructor buffers
    emb_bag_inputs = jax.random.randint(k2, (TOTAL,), 0, N_CAT)
    offsets = jnp.arange(N_ITEMS, dtype=jnp.int32) * L
    input_lengths = jnp.full((N_ITEMS,), L, dtype=jnp.int32)
    length_range = jnp.arange(L, dtype=jnp.int32)  # arange(input_lengths.max())
    # Learned parameter: nn.EmbeddingBag weight (default mode='mean')
    emb_weight = jax.random.normal(k3, (N_CAT, D), dtype=jnp.float32)
    return {
        "items": items,
        "emb_bag_inputs": emb_bag_inputs,
        "offsets": offsets,
        "input_lengths": input_lengths,
        "length_range": length_range,
        "emb_weight": emb_weight,
    }


def reference(items, emb_bag_inputs, offsets, input_lengths, length_range, emb_weight):
    # get_item_inputs_offsets
    item_indexes = offsets[items][:, None] + length_range[None, :]          # [B, Lmax]
    length_mask = length_range[None, :] < input_lengths[items][:, None]     # [B, Lmax]
    batch = items.shape[0]
    lmax = length_range.shape[0]
    total_flat = batch * lmax
    safe_indexes = jnp.where(length_mask, item_indexes, 0).reshape(total_flat)
    flat_inputs = emb_bag_inputs[safe_indexes]                              # [B*Lmax]
    flat_mask = length_mask.reshape(total_flat)
    lengths = input_lengths[items]                                          # [B]
    # nn.EmbeddingBag(mode='mean') with offsets == segment-mean over gathered rows
    seg_ids = jnp.repeat(jnp.arange(batch), lengths,
                         total_repeat_length=total_flat)
    gathered = jnp.take(emb_weight, flat_inputs, axis=0)                    # [B*Lmax, D]
    gathered = gathered * flat_mask[:, None].astype(gathered.dtype)
    sums = jax.ops.segment_sum(gathered, seg_ids, num_segments=batch)
    out = sums / lengths[:, None].astype(jnp.float32)
    # Dropout is identity in eval mode
    return out

if __name__ == "__main__":
    import jax
    _d = setup_inputs()
    print(jax.jit(kernel)(*tuple(_d.values())))

</pallas_src>

<mosaic_0001>
#map = affine_map<(d0, d1) -> (0, 0, 0)>
#map1 = affine_map<(d0, d1) -> (0, 0)>
module attributes {stable_mosaic.version = 14 : i64} {
  func.func @embed_bag(%arg0: i32, %arg1: i32, %arg2: memref<32x4x128xi32, #tpu.memory_space<hbm>>, %arg3: memref<12500x64xi32, #tpu.memory_space<hbm>>, %arg4: memref<200000x64xf32, #tpu.memory_space<hbm>>, %arg5: memref<16384x64xf32, #tpu.memory_space<hbm>>, %arg6: memref<4x128xi32, #tpu.memory_space<vmem>>, %arg7: memref<4x128xi32, #tpu.memory_space<vmem>>, %arg8: memref<512x64xi32, #tpu.memory_space<vmem>>, %arg9: memref<32x128xi32, #tpu.memory_space<vmem>>, %arg10: memref<32x128xi32, #tpu.memory_space<vmem>>, %arg11: memref<3x128x64xf32, #tpu.memory_space<vmem>>, %arg12: memref<128x64xf32, #tpu.memory_space<vmem>>, %arg13: memref<8192x64xf32, #tpu.memory_space<vmem_shared>>, %arg14: memref<!tpu.dma_semaphore, #tpu.memory_space<semaphore_mem>>, %arg15: memref<3x!tpu.dma_semaphore, #tpu.memory_space<semaphore_mem>>, %arg16: memref<!tpu.dma_semaphore, #tpu.memory_space<semaphore_mem>>) attributes {dimension_semantics = [#tpu.dimension_semantics<core_parallel>, #tpu.dimension_semantics<subcore_parallel>], iteration_bounds = array<i64: 2, 16>, scalar_prefetch = 0 : i64, scratch_operands = 11 : i64, tpu.core_type = #tpu.core_type<sc_vector_subcore>, window_params = [{transform_indices = #map}, {transform_indices = #map1}, {transform_indices = #map1}, {transform_indices = #map1}]} {
    %mul3A = arith.constant 2 : i32
    %mul3A_0 = arith.muli %arg1, %mul3A : i32
    %add3A = arith.addi %mul3A_0, %arg0 : i32
    "tpu.region"() ({
      %run_scoped3A = tpu.sem_alloc : memref<!tpu.dma_semaphore, #tpu.memory_space<semaphore_mem>>
      %dma_start3A_642 = arith.constant 0 : i32
      %dma_start3A_643 = arith.constant 0 : i32
      %dma_start3A_644 = tpu.memref_slice %arg2[%add3A, %dma_start3A_642, %dma_start3A_643] : memref<32x4x128xi32, #tpu.memory_space<hbm>> -> memref<1x4x128xi32, #tpu.memory_space<hbm>>
      %dma_start3A_645 = tpu.memref_squeeze %dma_start3A_644 : memref<1x4x128xi32, #tpu.memory_space<hbm>> -> memref<4x128xi32, #tpu.memory_space<hbm>>
      %dma_start3A_646 = arith.constant 0 : i32
      %dma_start3A_647 = arith.constant 0 : i32
      %dma_start3A_648 = tpu.memref_slice %arg2[%add3A, %dma_start3A_646, %dma_start3A_647] : memref<32x4x128xi32, #tpu.memory_space<hbm>> -> memref<1x4x128xi32, #tpu.memory_space<hbm>>
      %dma_start3A_649 = tpu.memref_squeeze %dma_start3A_648 : memref<1x4x128xi32, #tpu.memory_space<hbm>> -> memref<4x128xi32, #tpu.memory_space<hbm>>
      tpu.enqueue_dma source(%dma_start3A_649 : memref<4x128xi32, #tpu.memory_space<hbm>>) target(%arg6 : memref<4x128xi32, #tpu.memory_space<vmem>>) target_semaphore(%run_scoped3A : memref<!tpu.dma_semaphore, #tpu.memory_space<semaphore_mem>>)
      %dma_wait3A_650 = arith.constant 0 : i32
      %dma_wait3A_651 = arith.constant 0 : i32
      %dma_wait3A_652 = tpu.memref_slice %arg2[%add3A, %dma_wait3A_650, %dma_wait3A_651] : memref<32x4x128xi32, #tpu.memory_space<hbm>> -> memref<1x4x128xi32, #tpu.memory_space<hbm>>
      %dma_wait3A_653 = tpu.memref_squeeze %dma_wait3A_652 : memref<1x4x128xi32, #tpu.memory_space<hbm>> -> memref<4x128xi32, #tpu.memory_space<hbm>>
      %dma_wait3A_654 = arith.constant 0 : i32
      %dma_wait3A_655 = arith.constant 0 : i32
      %dma_wait3A_656 = tpu.memref_slice %arg2[%add3A, %dma_wait3A_654, %dma_wait3A_655] : memref<32x4x128xi32, #tpu.memory_space<hbm>> -> memref<1x4x128xi32, #tpu.memory_space<hbm>>
      %dma_wait3A_657 = tpu.memref_squeeze %dma_wait3A_656 : memref<1x4x128xi32, #tpu.memory_space<hbm>> -> memref<4x128xi32, #tpu.memory_space<hbm>>
      tpu.wait_dma2 semaphore(%run_scoped3A : memref<!tpu.dma_semaphore, #tpu.memory_space<semaphore_mem>>) src(%dma_wait3A_657 : memref<4x128xi32, #tpu.memory_space<hbm>>) dst(%arg6 : memref<4x128xi32, #tpu.memory_space<vmem>>)
      tpu.yield
    }) : () -> ()
    %get3A = arith.constant 0 : i32
    %get3A_1 = arith.index_cast %get3A : i32 to index
    %get3A_2 = arith.constant 0 : index
    %get3A_3 = tpu.vector_load %arg6[%get3A_1, %get3A_2] {strides = array<i32>} : memref<4x128xi32, #tpu.memory_space<vmem>>, vector<16xi32>,
    %shift_right_arithmetic3A = arith.constant 3 : i32
    %shift_right_arithmetic3A_4 = vector.broadcast %shift_right_arithmetic3A : i32 to vector<16xi32>
    %shift_right_arithmetic3A_5 = arith.shrsi %get3A_3, %shift_right_arithmetic3A_4 : vector<16xi32>
    %swap3A = arith.constant 0 : i32
    %swap3A_6 = arith.index_cast %swap3A : i32 to index
    %swap3A_7 = arith.constant 0 : index
    %swap3A_8 = tpu.vector_load %arg7[%swap3A_6, %swap3A_7] {strides = array<i32>} : memref<4x128xi32, #tpu.memory_space<vmem>>, vector<16xi32>,
    tpu.vector_store %arg7[%swap3A_6, %swap3A_7], %shift_right_arithmetic3A_5 {strides = array<i32>} : memref<4x128xi32, #tpu.memory_space<vmem>>, vector<16xi32>,
    %get3A_9 = arith.constant 0 : i32
    %get3A_10 = arith.index_cast %get3A_9 : i32 to index
    %get3A_11 = arith.constant 16 : index
    %get3A_12 = tpu.vector_load %arg6[%get3A_10, %get3A_11] {strides = array<i32>} : memref<4x128xi32, #tpu.memory_space<vmem>>, vector<16xi32>,
    %shift_right_arithmetic3A_13 = arith.constant 3 : i32
    %shift_right_arithmetic3A_14 = vector.broadcast %shift_right_arithmetic3A_13 : i32 to vector<16xi32>
    %shift_right_arithmetic3A_15 = arith.shrsi %get3A_12, %shift_right_arithmetic3A_14 : vector<16xi32>
    %swap3A_16 = arith.constant 0 : i32
    %swap3A_17 = arith.index_cast %swap3A_16 : i32 to index
    %swap3A_18 = arith.constant 16 : index
    %swap3A_19 = tpu.vector_load %arg7[%swap3A_17, %swap3A_18] {strides = array<i32>} : memref<4x128xi32, #tpu.memory_space<vmem>>, vector<16xi32>,
    tpu.vector_store %arg7[%swap3A_17, %swap3A_18], %shift_right_arithmetic3A_15 {strides = array<i32>} : memref<4x128xi32, #tpu.memory_space<vmem>>, vector<16xi32>,
    %get3A_20 = arith.constant 0 : i32
    %get3A_21 = arith.index_cast %get3A_20 : i32 to index
    %get3A_22 = arith.constant 32 : index
    %get3A_23 = tpu.vector_load %arg6[%get3A_21, %get3A_22] {strides = array<i32>} : memref<4x128xi32, #tpu.memory_space<vmem>>, vector<16xi32>,
    %shift_right_arithmetic3A_24 = arith.constant 3 : i32
    %shift_right_arithmetic3A_25 = vector.broadcast %shift_right_arithmetic3A_24 : i32 to vector<16xi32>
    %shift_right_arithmetic3A_26 = arith.shrsi %get3A_23, %shift_right_arithmetic3A_25 : vector<16xi32>
    %swap3A_27 = arith.constant 0 : i32
    %swap3A_28 = arith.index_cast %swap3A_27 : i32 to index
    %swap3A_29 = arith.constant 32 : index
    %swap3A_30 = tpu.vector_load %arg7[%swap3A_28, %swap3A_29] {strides = array<i32>} : memref<4x128xi32, #tpu.memory_space<vmem>>, vector<16xi32>,
    tpu.vector_store %arg7[%swap3A_28, %swap3A_29], %shift_right_arithmetic3A_26 {strides = array<i32>} : memref<4x128xi32, #tpu.memory_space<vmem>>, vector<16xi32>,
    %get3A_31 = arith.constant 0 : i32
    %get3A_32 = arith.index_cast %get3A_31 : i32 to index
    %get3A_33 = arith.constant 48 : index
    %get3A_34 = tpu.vector_load %arg6[%get3A_32, %get3A_33] {strides = array<i32>} : memref<4x128xi32, #tpu.memory_space<vmem>>, vector<16xi32>,
    %shift_right_arithmetic3A_35 = arith.constant 3 : i32
    %shift_right_arithmetic3A_36 = vector.broadcast %shift_right_arithmetic3A_35 : i32 to vector<16xi32>
    %shift_right_arithmetic3A_37 = arith.shrsi %get3A_34, %shift_right_arithmetic3A_36 : vector<16xi32>
    %swap3A_38 = arith.constant 0 : i32
    %swap3A_39 = arith.index_cast %swap3A_38 : i32 to index
    %swap3A_40 = arith.constant 48 : index
    %swap3A_41 = tpu.vector_load %arg7[%swap3A_39, %swap3A_40] {strides = array<i32>} : memref<4x128xi32, #tpu.memory_space<vmem>>, vector<16xi32>,
    tpu.vector_store %arg7[%swap3A_39, %swap3A_40], %shift_right_arithmetic3A_37 {strides = array<i32>} : memref<4x128xi32, #tpu.memory_space<vmem>>, vector<16xi32>,
    %get3A_42 = arith.constant 0 : i32
    %get3A_43 = arith.index_cast %get3A_42 : i32 to index
    %get3A_44 = arith.constant 64 : index
    %get3A_45 = tpu.vector_load %arg6[%get3A_43, %get3A_44] {strides = array<i32>} : memref<4x128xi32, #tpu.memory_space<vmem>>, vector<16xi32>,
    %shift_right_arithmetic3A_46 = arith.constant 3 : i32
    %shift_right_arithmetic3A_47 = vector.broadcast %shift_right_arithmetic3A_46 : i32 to vector<16xi32>
    %shift_right_arithmetic3A_48 = arith.shrsi %get3A_45, %shift_right_arithmetic3A_47 : vector<16xi32>
    %swap3A_49 = arith.constant 0 : i32
    %swap3A_50 = arith.index_cast %swap3A_49 : i32 to index
    %swap3A_51 = arith.constant 64 : index
    %swap3A_52 = tpu.vector_load %arg7[%swap3A_50, %swap3A_51] {strides = array<i32>} : memref<4x128xi32, #tpu.memory_space<vmem>>, vector<16xi32>,
    tpu.vector_store %arg7[%swap3A_50, %swap3A_51], %shift_right_arithmetic3A_48 {strides = array<i32>} : memref<4x128xi32, #tpu.memory_space<vmem>>, vector<16xi32>,
    %get3A_53 = arith.constant 0 : i32
    %get3A_54 = arith.index_cast %get3A_53 : i32 to index
    %get3A_55 = arith.constant 80 : index
    %get3A_56 = tpu.vector_load %arg6[%get3A_54, %get3A_55] {strides = array<i32>} : memref<4x128xi32, #tpu.memory_space<vmem>>, vector<16xi32>,
    %shift_right_arithmetic3A_57 = arith.constant 3 : i32
    %shift_right_arithmetic3A_58 = vector.broadcast %shift_right_arithmetic3A_57 : i32 to vector<16xi32>
    %shift_right_arithmetic3A_59 = arith.shrsi %get3A_56, %shift_right_arithmetic3A_58 : vector<16xi32>
    %swap3A_60 = arith.constant 0 : i32
    %swap3A_61 = arith.index_cast %swap3A_60 : i32 to index
    %swap3A_62 = arith.constant 80 : index
    %swap3A_63 = tpu.vector_load %arg7[%swap3A_61, %swap3A_62] {strides = array<i32>} : memref<4x128xi32, #tpu.memory_space<vmem>>, vector<16xi32>,
    tpu.vector_store %arg7[%swap3A_61, %swap3A_62], %shift_right_arithmetic3A_59 {strides = array<i32>} : memref<4x128xi32, #tpu.memory_space<vmem>>, vector<16xi32>,
    %get3A_64 = arith.constant 0 : i32
    %get3A_65 = arith.index_cast %get3A_64 : i32 to index
    %get3A_66 = arith.constant 96 : index
    %get3A_67 = tpu.vector_load %arg6[%get3A_65, %get3A_66] {strides = array<i32>} : memref<4x128xi32, #tpu.memory_space<vmem>>, vector<16xi32>,
    %shift_right_arithmetic3A_68 = arith.constant 3 : i32
    %shift_right_arithmetic3A_69 = vector.broadcast %shift_right_arithmetic3A_68 : i32 to vector<16xi32>
    %shift_right_arithmetic3A_70 = arith.shrsi %get3A_67, %shift_right_arithmetic3A_69 : vector<16xi32>
    %swap3A_71 = arith.constant 0 : i32
    %swap3A_72 = arith.index_cast %swap3A_71 : i32 to index
    %swap3A_73 = arith.constant 96 : index
    %swap3A_74 = tpu.vector_load %arg7[%swap3A_72, %swap3A_73] {strides = array<i32>} : memref<4x128xi32, #tpu.memory_space<vmem>>, vector<16xi32>,
    tpu.vector_store %arg7[%swap3A_72, %swap3A_73], %shift_right_arithmetic3A_70 {strides = array<i32>} : memref<4x128xi32, #tpu.memory_space<vmem>>, vector<16xi32>,
    %get3A_75 = arith.constant 0 : i32
    %get3A_76 = arith.index_cast %get3A_75 : i32 to index
    %get3A_77 = arith.constant 112 : index
    %get3A_78 = tpu.vector_load %arg6[%get3A_76, %get3A_77] {strides = array<i32>} : memref<4x128xi32, #tpu.memory_space<vmem>>, vector<16xi32>,
    %shift_right_arithmetic3A_79 = arith.constant 3 : i32
    %shift_right_arithmetic3A_80 = vector.broadcast %shift_right_arithmetic3A_79 : i32 to vector<16xi32>
    %shift_right_arithmetic3A_81 = arith.shrsi %get3A_78, %shift_right_arithmetic3A_80 : vector<16xi32>
    %swap3A_82 = arith.constant 0 : i32
    %swap3A_83 = arith.index_cast %swap3A_82 : i32 to index
    %swap3A_84 = arith.constant 112 : index
    %swap3A_85 = tpu.vector_load %arg7[%swap3A_83, %swap3A_84] {strides = array<i32>} : memref<4x128xi32, #tpu.memory_space<vmem>>, vector<16xi32>,
    tpu.vector_store %arg7[%swap3A_83, %swap3A_84], %shift_right_arithmetic3A_81 {strides = array<i32>} : memref<4x128xi32, #tpu.memory_space<vmem>>, vector<16xi32>,
    %get3A_86 = arith.constant 1 : i32
    %get3A_87 = arith.index_cast %get3A_86 : i32 to index
    %get3A_88 = arith.constant 0 : index
    %get3A_89 = tpu.vector_load %arg6[%get3A_87, %get3A_88] {strides = array<i32>} : memref<4x128xi32, #tpu.memory_space<vmem>>, vector<16xi32>,
    %shift_right_arithmetic3A_90 = arith.constant 3 : i32
    %shift_right_arithmetic3A_91 = vector.broadcast %shift_right_arithmetic3A_90 : i32 to vector<16xi32>
    %shift_right_arithmetic3A_92 = arith.shrsi %get3A_89, %shift_right_arithmetic3A_91 : vector<16xi32>
    %swap3A_93 = arith.constant 1 : i32
    %swap3A_94 = arith.index_cast %swap3A_93 : i32 to index
    %swap3A_95 = arith.constant 0 : index
    %swap3A_96 = tpu.vector_load %arg7[%swap3A_94, %swap3A_95] {strides = array<i32>} : memref<4x128xi32, #tpu.memory_space<vmem>>, vector<16xi32>,
    tpu.vector_store %arg7[%swap3A_94, %swap3A_95], %shift_right_arithmetic3A_92 {strides = array<i32>} : memref<4x128xi32, #tpu.memory_space<vmem>>, vector<16xi32>,
    %get3A_97 = arith.constant 1 : i32
    %get3A_98 = arith.index_cast %get3A_97 : i32 to index
    %get3A_99 = arith.constant 16 : index
    %get3A_100 = tpu.vector_load %arg6[%get3A_98, %get3A_99] {strides = array<i32>} : memref<4x128xi32, #tpu.memory_space<vmem>>, vector<16xi32>,
    %shift_right_arithmetic3A_101 = arith.constant 3 : i32
    %shift_right_arithmetic3A_102 = vector.broadcast %shift_right_arithmetic3A_101 : i32 to vector<16xi32>
    %shift_right_arithmetic3A_103 = arith.shrsi %get3A_100, %shift_right_arithmetic3A_102 : vector<16xi32>
    %swap3A_104 = arith.constant 1 : i32
    %swap3A_105 = arith.index_cast %swap3A_104 : i32 to index
    %swap3A_106 = arith.constant 16 : index
    %swap3A_107 = tpu.vector_load %arg7[%swap3A_105, %swap3A_106] {strides = array<i32>} : memref<4x128xi32, #tpu.memory_space<vmem>>, vector<16xi32>,
    tpu.vector_store %arg7[%swap3A_105, %swap3A_106], %shift_right_arithmetic3A_103 {strides = array<i32>} : memref<4x128xi32, #tpu.memory_space<vmem>>, vector<16xi32>,
    %get3A_108 = arith.constant 1 : i32
    %get3A_109 = arith.index_cast %get3A_108 : i32 to index
    %get3A_110 = arith.constant 32 : index
    %get3A_111 = tpu.vector_load %arg6[%get3A_109, %get3A_110] {strides = array<i32>} : memref<4x128xi32, #tpu.memory_space<vmem>>, vector<16xi32>,
    %shift_right_arithmetic3A_112 = arith.constant 3 : i32
    %shift_right_arithmetic3A_113 = vector.broadcast %shift_right_arithmetic3A_112 : i32 to vector<16xi32>
    %shift_right_arithmetic3A_114 = arith.shrsi %get3A_111, %shift_right_arithmetic3A_113 : vector<16xi32>
    %swap3A_115 = arith.constant 1 : i32
    %swap3A_116 = arith.index_cast %swap3A_115 : i32 to index
    %swap3A_117 = arith.constant 32 : index
    %swap3A_118 = tpu.vector_load %arg7[%swap3A_116, %swap3A_117] {strides = array<i32>} : memref<4x128xi32, #tpu.memory_space<vmem>>, vector<16xi32>,
    tpu.vector_store %arg7[%swap3A_116, %swap3A_117], %shift_right_arithmetic3A_114 {strides = array<i32>} : memref<4x128xi32, #tpu.memory_space<vmem>>, vector<16xi32>,
    %get3A_119 = arith.constant 1 : i32
    %get3A_120 = arith.index_cast %get3A_119 : i32 to index
    %get3A_121 = arith.constant 48 : index
    %get3A_122 = tpu.vector_load %arg6[%get3A_120, %get3A_121] {strides = array<i32>} : memref<4x128xi32, #tpu.memory_space<vmem>>, vector<16xi32>,
    %shift_right_arithmetic3A_123 = arith.constant 3 : i32
    %shift_right_arithmetic3A_124 = vector.broadcast %shift_right_arithmetic3A_123 : i32 to vector<16xi32>
    %shift_right_arithmetic3A_125 = arith.shrsi %get3A_122, %shift_right_arithmetic3A_124 : vector<16xi32>
    %swap3A_126 = arith.constant 1 : i32
    %swap3A_127 = arith.index_cast %swap3A_126 : i32 to index
    %swap3A_128 = arith.constant 48 : index
    %swap3A_129 = tpu.vector_load %arg7[%swap3A_127, %swap3A_128] {strides = array<i32>} : memref<4x128xi32, #tpu.memory_space<vmem>>, vector<16xi32>,
    tpu.vector_store %arg7[%swap3A_127, %swap3A_128], %shift_right_arithmetic3A_125 {strides = array<i32>} : memref<4x128xi32, #tpu.memory_space<vmem>>, vector<16xi32>,
    %get3A_130 = arith.constant 1 : i32
    %get3A_131 = arith.index_cast %get3A_130 : i32 to index
    %get3A_132 = arith.constant 64 : index
    %get3A_133 = tpu.vector_load %arg6[%get3A_131, %get3A_132] {strides = array<i32>} : memref<4x128xi32, #tpu.memory_space<vmem>>, vector<16xi32>,
    %shift_right_arithmetic3A_134 = arith.constant 3 : i32
    %shift_right_arithmetic3A_135 = vector.broadcast %shift_right_arithmetic3A_134 : i32 to vector<16xi32>
    %shift_right_arithmetic3A_136 = arith.shrsi %get3A_133, %shift_right_arithmetic3A_135 : vector<16xi32>
    %swap3A_137 = arith.constant 1 : i32
    %swap3A_138 = arith.index_cast %swap3A_137 : i32 to index
    %swap3A_139 = arith.constant 64 : index
    %swap3A_140 = tpu.vector_load %arg7[%swap3A_138, %swap3A_139] {strides = array<i32>} : memref<4x128xi32, #tpu.memory_space<vmem>>, vector<16xi32>,
    tpu.vector_store %arg7[%swap3A_138, %swap3A_139], %shift_right_arithmetic3A_136 {strides = array<i32>} : memref<4x128xi32, #tpu.memory_space<vmem>>, vector<16xi32>,
    %get3A_141 = arith.constant 1 : i32
    %get3A_142 = arith.index_cast %get3A_141 : i32 to index
    %get3A_143 = arith.constant 80 : index
    %get3A_144 = tpu.vector_load %arg6[%get3A_142, %get3A_143] {strides = array<i32>} : memref<4x128xi32, #tpu.memory_space<vmem>>, vector<16xi32>,
    %shift_right_arithmetic3A_145 = arith.constant 3 : i32
    %shift_right_arithmetic3A_146 = vector.broadcast %shift_right_arithmetic3A_145 : i32 to vector<16xi32>
    %shift_right_arithmetic3A_147 = arith.shrsi %get3A_144, %shift_right_arithmetic3A_146 : vector<16xi32>
    %swap3A_148 = arith.constant 1 : i32
    %swap3A_149 = arith.index_cast %swap3A_148 : i32 to index
    %swap3A_150 = arith.constant 80 : index
    %swap3A_151 = tpu.vector_load %arg7[%swap3A_149, %swap3A_150] {strides = array<i32>} : memref<4x128xi32, #tpu.memory_space<vmem>>, vector<16xi32>,
    tpu.vector_store %arg7[%swap3A_149, %swap3A_150], %shift_right_arithmetic3A_147 {strides = array<i32>} : memref<4x128xi32, #tpu.memory_space<vmem>>, vector<16xi32>,
    %get3A_152 = arith.constant 1 : i32
    %get3A_153 = arith.index_cast %get3A_152 : i32 to index
    %get3A_154 = arith.constant 96 : index
    %get3A_155 = tpu.vector_load %arg6[%get3A_153, %get3A_154] {strides = array<i32>} : memref<4x128xi32, #tpu.memory_space<vmem>>, vector<16xi32>,
    %shift_right_arithmetic3A_156 = arith.constant 3 : i32
    %shift_right_arithmetic3A_157 = vector.broadcast %shift_right_arithmetic3A_156 : i32 to vector<16xi32>
    %shift_right_arithmetic3A_158 = arith.shrsi %get3A_155, %shift_right_arithmetic3A_157 : vector<16xi32>
    %swap3A_159 = arith.constant 1 : i32
    %swap3A_160 = arith.index_cast %swap3A_159 : i32 to index
    %swap3A_161 = arith.constant 96 : index
    %swap3A_162 = tpu.vector_load %arg7[%swap3A_160, %swap3A_161] {strides = array<i32>} : memref<4x128xi32, #tpu.memory_space<vmem>>, vector<16xi32>,
    tpu.vector_store %arg7[%swap3A_160, %swap3A_161], %shift_right_arithmetic3A_158 {strides = array<i32>} : memref<4x128xi32, #tpu.memory_space<vmem>>, vector<16xi32>,
    %get3A_163 = arith.constant 1 : i32
    %get3A_164 = arith.index_cast %get3A_163 : i32 to index
    %get3A_165 = arith.constant 112 : index
    %get3A_166 = tpu.vector_load %arg6[%get3A_164, %get3A_165] {strides = array<i32>} : memref<4x128xi32, #tpu.memory_space<vmem>>, vector<16xi32>,
    %shift_right_arithmetic3A_167 = arith.constant 3 : i32
    %shift_right_arithmetic3A_168 = vector.broadcast %shift_right_arithmetic3A_167 : i32 to vector<16xi32>
    %shift_right_arithmetic3A_169 = arith.shrsi %get3A_166, %shift_right_arithmetic3A_168 : vector<16xi32>
    %swap3A_170 = arith.constant 1 : i32
    %swap3A_171 = arith.index_cast %swap3A_170 : i32 to index
    %swap3A_172 = arith.constant 112 : index
    %swap3A_173 = tpu.vector_load %arg7[%swap3A_171, %swap3A_172] {strides = array<i32>} : memref<4x128xi32, #tpu.memory_space<vmem>>, vector<16xi32>,
    tpu.vector_store %arg7[%swap3A_171, %swap3A_172], %shift_right_arithmetic3A_169 {strides = array<i32>} : memref<4x128xi32, #tpu.memory_space<vmem>>, vector<16xi32>,
    %get3A_174 = arith.constant 2 : i32
    %get3A_175 = arith.index_cast %get3A_174 : i32 to index
    %get3A_176 = arith.constant 0 : index
    %get3A_177 = tpu.vector_load %arg6[%get3A_175, %get3A_176] {strides = array<i32>} : memref<4x128xi32, #tpu.memory_space<vmem>>, vector<16xi32>,
    %shift_right_arithmetic3A_178 = arith.constant 3 : i32
    %shift_right_arithmetic3A_179 = vector.broadcast %shift_right_arithmetic3A_178 : i32 to vector<16xi32>
    %shift_right_arithmetic3A_180 = arith.shrsi %get3A_177, %shift_right_arithmetic3A_179 : vector<16xi32>
    %swap3A_181 = arith.constant 2 : i32
    %swap3A_182 = arith.index_cast %swap3A_181 : i32 to index
    %swap3A_183 = arith.constant 0 : index
    %swap3A_184 = tpu.vector_load %arg7[%swap3A_182, %swap3A_183] {strides = array<i32>} : memref<4x128xi32, #tpu.memory_space<vmem>>, vector<16xi32>,
    tpu.vector_store %arg7[%swap3A_182, %swap3A_183], %shift_right_arithmetic3A_180 {strides = array<i32>} : memref<4x128xi32, #tpu.memory_space<vmem>>, vector<16xi32>,
    %get3A_185 = arith.constant 2 : i32
    %get3A_186 = arith.index_cast %get3A_185 : i32 to index
    %get3A_187 = arith.constant 16 : index
    %get3A_188 = tpu.vector_load %arg6[%get3A_186, %get3A_187] {strides = array<i32>} : memref<4x128xi32, #tpu.memory_space<vmem>>, vector<16xi32>,
    %shift_right_arithmetic3A_189 = arith.constant 3 : i32
    %shift_right_arithmetic3A_190 = vector.broadcast %shift_right_arithmetic3A_189 : i32 to vector<16xi32>
    %shift_right_arithmetic3A_191 = arith.shrsi %get3A_188, %shift_right_arithmetic3A_190 : vector<16xi32>
    %swap3A_192 = arith.constant 2 : i32
    %swap3A_193 = arith.index_cast %swap3A_192 : i32 to index
    %swap3A_194 = arith.constant 16 : index
    %swap3A_195 = tpu.vector_load %arg7[%swap3A_193, %swap3A_194] {strides = array<i32>} : memref<4x128xi32, #tpu.memory_space<vmem>>, vector<16xi32>,
    tpu.vector_store %arg7[%swap3A_193, %swap3A_194], %shift_right_arithmetic3A_191 {strides = array<i32>} : memref<4x128xi32, #tpu.memory_space<vmem>>, vector<16xi32>,
    %get3A_196 = arith.constant 2 : i32
    %get3A_197 = arith.index_cast %get3A_196 : i32 to index
    %get3A_198 = arith.constant 32 : index
    %get3A_199 = tpu.vector_load %arg6[%get3A_197, %get3A_198] {strides = array<i32>} : memref<4x128xi32, #tpu.memory_space<vmem>>, vector<16xi32>,
    %shift_right_arithmetic3A_200 = arith.constant 3 : i32
    %shift_right_arithmetic3A_201 = vector.broadcast %shift_right_arithmetic3A_200 : i32 to vector<16xi32>
    %shift_right_arithmetic3A_202 = arith.shrsi %get3A_199, %shift_right_arithmetic3A_201 : vector<16xi32>
    %swap3A_203 = arith.constant 2 : i32
    %swap3A_204 = arith.index_cast %swap3A_203 : i32 to index
    %swap3A_205 = arith.constant 32 : index
    %swap3A_206 = tpu.vector_load %arg7[%swap3A_204, %swap3A_205] {strides = array<i32>} : memref<4x128xi32, #tpu.memory_space<vmem>>, vector<16xi32>,
    tpu.vector_store %arg7[%swap3A_204, %swap3A_205], %shift_right_arithmetic3A_202 {strides = array<i32>} : memref<4x128xi32, #tpu.memory_space<vmem>>, vector<16xi32>,
    %get3A_207 = arith.constant 2 : i32
    %get3A_208 = arith.index_cast %get3A_207 : i32 to index
    %get3A_209 = arith.constant 48 : index
    %get3A_210 = tpu.vector_load %arg6[%get3A_208, %get3A_209] {strides = array<i32>} : memref<4x128xi32, #tpu.memory_space<vmem>>, vector<16xi32>,
    %shift_right_arithmetic3A_211 = arith.constant 3 : i32
    %shift_right_arithmetic3A_212 = vector.broadcast %shift_right_arithmetic3A_211 : i32 to vector<16xi32>
    %shift_right_arithmetic3A_213 = arith.shrsi %get3A_210, %shift_right_arithmetic3A_212 : vector<16xi32>
    %swap3A_214 = arith.constant 2 : i32
    %swap3A_215 = arith.index_cast %swap3A_214 : i32 to index
    %swap3A_216 = arith.constant 48 : index
    %swap3A_217 = tpu.vector_load %arg7[%swap3A_215, %swap3A_216] {strides = array<i32>} : memref<4x128xi32, #tpu.memory_space<vmem>>, vector<16xi32>,
    tpu.vector_store %arg7[%swap3A_215, %swap3A_216], %shift_right_arithmetic3A_213 {strides = array<i32>} : memref<4x128xi32, #tpu.memory_space<vmem>>, vector<16xi32>,
    %get3A_218 = arith.constant 2 : i32
    %get3A_219 = arith.index_cast %get3A_218 : i32 to index
    %get3A_220 = arith.constant 64 : index
    %get3A_221 = tpu.vector_load %arg6[%get3A_219, %get3A_220] {strides = array<i32>} : memref<4x128xi32, #tpu.memory_space<vmem>>, vector<16xi32>,
    %shift_right_arithmetic3A_222 = arith.constant 3 : i32
    %shift_right_arithmetic3A_223 = vector.broadcast %shift_right_arithmetic3A_222 : i32 to vector<16xi32>
    %shift_right_arithmetic3A_224 = arith.shrsi %get3A_221, %shift_right_arithmetic3A_223 : vector<16xi32>
    %swap3A_225 = arith.constant 2 : i32
    %swap3A_226 = arith.index_cast %swap3A_225 : i32 to index
    %swap3A_227 = arith.constant 64 : index
    %swap3A_228 = tpu.vector_load %arg7[%swap3A_226, %swap3A_227] {strides = array<i32>} : memref<4x128xi32, #tpu.memory_space<vmem>>, vector<16xi32>,
    tpu.vector_store %arg7[%swap3A_226, %swap3A_227], %shift_right_arithmetic3A_224 {strides = array<i32>} : memref<4x128xi32, #tpu.memory_space<vmem>>, vector<16xi32>,
    %get3A_229 = arith.constant 2 : i32
    %get3A_230 = arith.index_cast %get3A_229 : i32 to index
    %get3A_231 = arith.constant 80 : index
    %get3A_232 = tpu.vector_load %arg6[%get3A_230, %get3A_231] {strides = array<i32>} : memref<4x128xi32, #tpu.memory_space<vmem>>, vector<16xi32>,
    %shift_right_arithmetic3A_233 = arith.constant 3 : i32
    %shift_right_arithmetic3A_234 = vector.broadcast %shift_right_arithmetic3A_233 : i32 to vector<16xi32>
    %shift_right_arithmetic3A_235 = arith.shrsi %get3A_232, %shift_right_arithmetic3A_234 : vector<16xi32>
    %swap3A_236 = arith.constant 2 : i32
    %swap3A_237 = arith.index_cast %swap3A_236 : i32 to index
    %swap3A_238 = arith.constant 80 : index
    %swap3A_239 = tpu.vector_load %arg7[%swap3A_237, %swap3A_238] {strides = array<i32>} : memref<4x128xi32, #tpu.memory_space<vmem>>, vector<16xi32>,
    tpu.vector_store %arg7[%swap3A_237, %swap3A_238], %shift_right_arithmetic3A_235 {strides = array<i32>} : memref<4x128xi32, #tpu.memory_space<vmem>>, vector<16xi32>,
    %get3A_240 = arith.constant 2 : i32
    %get3A_241 = arith.index_cast %get3A_240 : i32 to index
    %get3A_242 = arith.constant 96 : index
    %get3A_243 = tpu.vector_load %arg6[%get3A_241, %get3A_242] {strides = array<i32>} : memref<4x128xi32, #tpu.memory_space<vmem>>, vector<16xi32>,
    %shift_right_arithmetic3A_244 = arith.constant 3 : i32
    %shift_right_arithmetic3A_245 = vector.broadcast %shift_right_arithmetic3A_244 : i32 to vector<16xi32>
    %shift_right_arithmetic3A_246 = arith.shrsi %get3A_243, %shift_right_arithmetic3A_245 : vector<16xi32>
    %swap3A_247 = arith.constant 2 : i32
    %swap3A_248 = arith.index_cast %swap3A_247 : i32 to index
    %swap3A_249 = arith.constant 96 : index
    %swap3A_250 = tpu.vector_load %arg7[%swap3A_248, %swap3A_249] {strides = array<i32>} : memref<4x128xi32, #tpu.memory_space<vmem>>, vector<16xi32>,
    tpu.vector_store %arg7[%swap3A_248, %swap3A_249], %shift_right_arithmetic3A_246 {strides = array<i32>} : memref<4x128xi32, #tpu.memory_space<vmem>>, vector<16xi32>,
    %get3A_251 = arith.constant 2 : i32
    %get3A_252 = arith.index_cast %get3A_251 : i32 to index
    %get3A_253 = arith.constant 112 : index
    %get3A_254 = tpu.vector_load %arg6[%get3A_252, %get3A_253] {strides = array<i32>} : memref<4x128xi32, #tpu.memory_space<vmem>>, vector<16xi32>,
    %shift_right_arithmetic3A_255 = arith.constant 3 : i32
    %shift_right_arithmetic3A_256 = vector.broadcast %shift_right_arithmetic3A_255 : i32 to vector<16xi32>
    %shift_right_arithmetic3A_257 = arith.shrsi %get3A_254, %shift_right_arithmetic3A_256 : vector<16xi32>
    %swap3A_258 = arith.constant 2 : i32
    %swap3A_259 = arith.index_cast %swap3A_258 : i32 to index
    %swap3A_260 = arith.constant 112 : index
    %swap3A_261 = tpu.vector_load %arg7[%swap3A_259, %swap3A_260] {strides = array<i32>} : memref<4x128xi32, #tpu.memory_space<vmem>>, vector<16xi32>,
    tpu.vector_store %arg7[%swap3A_259, %swap3A_260], %shift_right_arithmetic3A_257 {strides = array<i32>} : memref<4x128xi32, #tpu.memory_space<vmem>>, vector<16xi32>,
    %get3A_262 = arith.constant 3 : i32
    %get3A_263 = arith.index_cast %get3A_262 : i32 to index
    %get3A_264 = arith.constant 0 : index
    %get3A_265 = tpu.vector_load %arg6[%get3A_263, %get3A_264] {strides = array<i32>} : memref<4x128xi32, #tpu.memory_space<vmem>>, vector<16xi32>,
    %shift_right_arithmetic3A_266 = arith.constant 3 : i32
    %shift_right_arithmetic3A_267 = vector.broadcast %shift_right_arithmetic3A_266 : i32 to vector<16xi32>
    %shift_right_arithmetic3A_268 = arith.shrsi %get3A_265, %shift_right_arithmetic3A_267 : vector<16xi32>
    %swap3A_269 = arith.constant 3 : i32
    %swap3A_270 = arith.index_cast %swap3A_269 : i32 to index
    %swap3A_271 = arith.constant 0 : index
    %swap3A_272 = tpu.vector_load %arg7[%swap3A_270, %swap3A_271] {strides = array<i32>} : memref<4x128xi32, #tpu.memory_space<vmem>>, vector<16xi32>,
    tpu.vector_store %arg7[%swap3A_270, %swap3A_271], %shift_right_arithmetic3A_268 {strides = array<i32>} : memref<4x128xi32, #tpu.memory_space<vmem>>, vector<16xi32>,
    %get3A_273 = arith.constant 3 : i32
    %get3A_274 = arith.index_cast %get3A_273 : i32 to index
    %get3A_275 = arith.constant 16 : index
    %get3A_276 = tpu.vector_load %arg6[%get3A_274, %get3A_275] {strides = array<i32>} : memref<4x128xi32, #tpu.memory_space<vmem>>, vector<16xi32>,
    %shift_right_arithmetic3A_277 = arith.constant 3 : i32
    %shift_right_arithmetic3A_278 = vector.broadcast %shift_right_arithmetic3A_277 : i32 to vector<16xi32>
    %shift_right_arithmetic3A_279 = arith.shrsi %get3A_276, %shift_right_arithmetic3A_278 : vector<16xi32>
    %swap3A_280 = arith.constant 3 : i32
    %swap3A_281 = arith.index_cast %swap3A_280 : i32 to index
    %swap3A_282 = arith.constant 16 : index
    %swap3A_283 = tpu.vector_load %arg7[%swap3A_281, %swap3A_282] {strides = array<i32>} : memref<4x128xi32, #tpu.memory_space<vmem>>, vector<16xi32>,
    tpu.vector_store %arg7[%swap3A_281, %swap3A_282], %shift_right_arithmetic3A_279 {strides = array<i32>} : memref<4x128xi32, #tpu.memory_space<vmem>>, vector<16xi32>,
    %get3A_284 = arith.constant 3 : i32
    %get3A_285 = arith.index_cast %get3A_284 : i32 to index
    %get3A_286 = arith.constant 32 : index
    %get3A_287 = tpu.vector_load %arg6[%get3A_285, %get3A_286] {strides = array<i32>} : memref<4x128xi32, #tpu.memory_space<vmem>>, vector<16xi32>,
    %shift_right_arithmetic3A_288 = arith.constant 3 : i32
    %shift_right_arithmetic3A_289 = vector.broadcast %shift_right_arithmetic3A_288 : i32 to vector<16xi32>
    %shift_right_arithmetic3A_290 = arith.shrsi %get3A_287, %shift_right_arithmetic3A_289 : vector<16xi32>
    %swap3A_291 = arith.constant 3 : i32
    %swap3A_292 = arith.index_cast %swap3A_291 : i32 to index
    %swap3A_293 = arith.constant 32 : index
    %swap3A_294 = tpu.vector_load %arg7[%swap3A_292, %swap3A_293] {strides = array<i32>} : memref<4x128xi32, #tpu.memory_space<vmem>>, vector<16xi32>,
    tpu.vector_store %arg7[%swap3A_292, %swap3A_293], %shift_right_arithmetic3A_290 {strides = array<i32>} : memref<4x128xi32, #tpu.memory_space<vmem>>, vector<16xi32>,
    %get3A_295 = arith.constant 3 : i32
    %get3A_296 = arith.index_cast %get3A_295 : i32 to index
    %get3A_297 = arith.constant 48 : index
    %get3A_298 = tpu.vector_load %arg6[%get3A_296, %get3A_297] {strides = array<i32>} : memref<4x128xi32, #tpu.memory_space<vmem>>, vector<16xi32>,
    %shift_right_arithmetic3A_299 = arith.constant 3 : i32
    %shift_right_arithmetic3A_300 = vector.broadcast %shift_right_arithmetic3A_299 : i32 to vector<16xi32>
    %shift_right_arithmetic3A_301 = arith.shrsi %get3A_298, %shift_right_arithmetic3A_300 : vector<16xi32>
    %swap3A_302 = arith.constant 3 : i32
    %swap3A_303 = arith.index_cast %swap3A_302 : i32 to index
    %swap3A_304 = arith.constant 48 : index
    %swap3A_305 = tpu.vector_load %arg7[%swap3A_303, %swap3A_304] {strides = array<i32>} : memref<4x128xi32, #tpu.memory_space<vmem>>, vector<16xi32>,
    tpu.vector_store %arg7[%swap3A_303, %swap3A_304], %shift_right_arithmetic3A_301 {strides = array<i32>} : memref<4x128xi32, #tpu.memory_space<vmem>>, vector<16xi32>,
    %get3A_306 = arith.constant 3 : i32
    %get3A_307 = arith.index_cast %get3A_306 : i32 to index
    %get3A_308 = arith.constant 64 : index
    %get3A_309 = tpu.vector_load %arg6[%get3A_307, %get3A_308] {strides = array<i32>} : memref<4x128xi32, #tpu.memory_space<vmem>>, vector<16xi32>,
    %shift_right_arithmetic3A_310 = arith.constant 3 : i32
    %shift_right_arithmetic3A_311 = vector.broadcast %shift_right_arithmetic3A_310 : i32 to vector<16xi32>
    %shift_right_arithmetic3A_312 = arith.shrsi %get3A_309, %shift_right_arithmetic3A_311 : vector<16xi32>
    %swap3A_313 = arith.constant 3 : i32
    %swap3A_314 = arith.index_cast %swap3A_313 : i32 to index
    %swap3A_315 = arith.constant 64 : index
    %swap3A_316 = tpu.vector_load %arg7[%swap3A_314, %swap3A_315] {strides = array<i32>} : memref<4x128xi32, #tpu.memory_space<vmem>>, vector<16xi32>,
    tpu.vector_store %arg7[%swap3A_314, %swap3A_315], %shift_right_arithmetic3A_312 {strides = array<i32>} : memref<4x128xi32, #tpu.memory_space<vmem>>, vector<16xi32>,
    %get3A_317 = arith.constant 3 : i32
    %get3A_318 = arith.index_cast %get3A_317 : i32 to index
    %get3A_319 = arith.constant 80 : index
    %get3A_320 = tpu.vector_load %arg6[%get3A_318, %get3A_319] {strides = array<i32>} : memref<4x128xi32, #tpu.memory_space<vmem>>, vector<16xi32>,
    %shift_right_arithmetic3A_321 = arith.constant 3 : i32
    %shift_right_arithmetic3A_322 = vector.broadcast %shift_right_arithmetic3A_321 : i32 to vector<16xi32>
    %shift_right_arithmetic3A_323 = arith.shrsi %get3A_320, %shift_right_arithmetic3A_322 : vector<16xi32>
    %swap3A_324 = arith.constant 3 : i32
    %swap3A_325 = arith.index_cast %swap3A_324 : i32 to index
    %swap3A_326 = arith.constant 80 : index
    %swap3A_327 = tpu.vector_load %arg7[%swap3A_325, %swap3A_326] {strides = array<i32>} : memref<4x128xi32, #tpu.memory_space<vmem>>, vector<16xi32>,
    tpu.vector_store %arg7[%swap3A_325, %swap3A_326], %shift_right_arithmetic3A_323 {strides = array<i32>} : memref<4x128xi32, #tpu.memory_space<vmem>>, vector<16xi32>,
    %get3A_328 = arith.constant 3 : i32
    %get3A_329 = arith.index_cast %get3A_328 : i32 to index
    %get3A_330 = arith.constant 96 : index
    %get3A_331 = tpu.vector_load %arg6[%get3A_329, %get3A_330] {strides = array<i32>} : memref<4x128xi32, #tpu.memory_space<vmem>>, vector<16xi32>,
    %shift_right_arithmetic3A_332 = arith.constant 3 : i32
    %shift_right_arithmetic3A_333 = vector.broadcast %shift_right_arithmetic3A_332 : i32 to vector<16xi32>
    %shift_right_arithmetic3A_334 = arith.shrsi %get3A_331, %shift_right_arithmetic3A_333 : vector<16xi32>
    %swap3A_335 = arith.constant 3 : i32
    %swap3A_336 = arith.index_cast %swap3A_335 : i32 to index
    %swap3A_337 = arith.constant 96 : index
    %swap3A_338 = tpu.vector_load %arg7[%swap3A_336, %swap3A_337] {strides = array<i32>} : memref<4x128xi32, #tpu.memory_space<vmem>>, vector<16xi32>,
    tpu.vector_store %arg7[%swap3A_336, %swap3A_337], %shift_right_arithmetic3A_334 {strides = array<i32>} : memref<4x128xi32, #tpu.memory_space<vmem>>, vector<16xi32>,
    %get3A_339 = arith.constant 3 : i32
    %get3A_340 = arith.index_cast %get3A_339 : i32 to index
    %get3A_341 = arith.constant 112 : index
    %get3A_342 = tpu.vector_load %arg6[%get3A_340, %get3A_341] {strides = array<i32>} : memref<4x128xi32, #tpu.memory_space<vmem>>, vector<16xi32>,
    %shift_right_arithmetic3A_343 = arith.constant 3 : i32
    %shift_right_arithmetic3A_344 = vector.broadcast %shift_right_arithmetic3A_343 : i32 to vector<16xi32>
    %shift_right_arithmetic3A_345 = arith.shrsi %get3A_342, %shift_right_arithmetic3A_344 : vector<16xi32>
    %swap3A_346 = arith.constant 3 : i32
    %swap3A_347 = arith.index_cast %swap3A_346 : i32 to index
    %swap3A_348 = arith.constant 112 : index
    %swap3A_349 = tpu.vector_load %arg7[%swap3A_347, %swap3A_348] {strides = array<i32>} : memref<4x128xi32, #tpu.memory_space<vmem>>, vector<16xi32>,
    tpu.vector_store %arg7[%swap3A_347, %swap3A_348], %shift_right_arithmetic3A_345 {strides = array<i32>} : memref<4x128xi32, #tpu.memory_space<vmem>>, vector<16xi32>,
    %dma_start3A = arith.constant 0 : i32
    %dma_start3A_350 = arith.constant 0 : i32
    %dma_start3A_351 = arith.constant 0 : i32
    %dma_start3A_352 = tpu.memref_slice %arg8[%dma_start3A_350, %dma_start3A_351] : memref<512x64xi32, #tpu.memory_space<vmem>> -> memref<128x64xi32, #tpu.memory_space<vmem>>
    %dma_start3A_353 = arith.constant 0 : i32
    %dma_start3A_354 = tpu.memref_slice %arg7[%dma_start3A, %dma_start3A_353] : memref<4x128xi32, #tpu.memory_space<vmem>> -> memref<1x128xi32, #tpu.memory_space<vmem>>
    %dma_start3A_355 = tpu.memref_squeeze %dma_start3A_354 : memref<1x128xi32, #tpu.memory_space<vmem>> -> memref<128xi32, #tpu.memory_space<vmem>>
    %dma_start3A_356 = arith.constant 0 : i32
    %dma_start3A_357 = arith.constant 0 : i32
    %dma_start3A_358 = tpu.memref_slice %arg3[%dma_start3A_356, %dma_start3A_357] : memref<12500x64xi32, #tpu.memory_space<hbm>> -> memref<12500x64xi32, #tpu.memory_space<hbm>>
    tpu.enqueue_indirect_dma source(%dma_start3A_358 : memref<12500x64xi32, #tpu.memory_space<hbm>>) target(%dma_start3A_352 : memref<128x64xi32, #tpu.memory_space<vmem>>) offsets(%dma_start3A_355 : memref<128xi32, #tpu.memory_space<vmem>>) semaphore(%arg14 : memref<!tpu.dma_semaphore, #tpu.memory_space<semaphore_mem>>)
    %dma_start3A_359 = arith.constant 1 : i32
    %dma_start3A_360 = arith.constant 128 : i32
    %dma_start3A_361 = arith.constant 0 : i32
    %dma_start3A_362 = tpu.memref_slice %arg8[%dma_start3A_360, %dma_start3A_361] : memref<512x64xi32, #tpu.memory_space<vmem>> -> memref<128x64xi32, #tpu.memory_space<vmem>>
    %dma_start3A_363 = arith.constant 0 : i32
    %dma_start3A_364 = tpu.memref_slice %arg7[%dma_start3A_359, %dma_start3A_363] : memref<4x128xi32, #tpu.memory_space<vmem>> -> memref<1x128xi32, #tpu.memory_space<vmem>>
    %dma_start3A_365 = tpu.memref_squeeze %dma_start3A_364 : memref<1x128xi32, #tpu.memory_space<vmem>> -> memref<128xi32, #tpu.memory_space<vmem>>
    %dma_start3A_366 = arith.constant 0 : i32
    %dma_start3A_367 = arith.constant 0 : i32
    %dma_start3A_368 = tpu.memref_slice %arg3[%dma_start3A_366, %dma_start3A_367] : memref<12500x64xi32, #tpu.memory_space<hbm>> -> memref<12500x64xi32, #tpu.memory_space<hbm>>
    tpu.enqueue_indirect_dma source(%dma_start3A_368 : memref<12500x64xi32, #tpu.memory_space<hbm>>) target(%dma_start3A_362 : memref<128x64xi32, #tpu.memory_space<vmem>>) offsets(%dma_start3A_365 : memref<128xi32, #tpu.memory_space<vmem>>) semaphore(%arg14 : memref<!tpu.dma_semaphore, #tpu.memory_space<semaphore_mem>>)
    %dma_start3A_369 = arith.constant 2 : i32
    %dma_start3A_370 = arith.constant 256 : i32
    %dma_start3A_371 = arith.constant 0 : i32
    %dma_start3A_372 = tpu.memref_slice %arg8[%dma_start3A_370, %dma_start3A_371] : memref<512x64xi32, #tpu.memory_space<vmem>> -> memref<128x64xi32, #tpu.memory_space<vmem>>
    %dma_start3A_373 = arith.constant 0 : i32
    %dma_start3A_374 = tpu.memref_slice %arg7[%dma_start3A_369, %dma_start3A_373] : memref<4x128xi32, #tpu.memory_space<vmem>> -> memref<1x128xi32, #tpu.memory_space<vmem>>
    %dma_start3A_375 = tpu.memref_squeeze %dma_start3A_374 : memref<1x128xi32, #tpu.memory_space<vmem>> -> memref<128xi32, #tpu.memory_space<vmem>>
    %dma_start3A_376 = arith.constant 0 : i32
    %dma_start3A_377 = arith.constant 0 : i32
    %dma_start3A_378 = tpu.memref_slice %arg3[%dma_start3A_376, %dma_start3A_377] : memref<12500x64xi32, #tpu.memory_space<hbm>> -> memref<12500x64xi32, #tpu.memory_space<hbm>>
    tpu.enqueue_indirect_dma source(%dma_start3A_378 : memref<12500x64xi32, #tpu.memory_space<hbm>>) target(%dma_start3A_372 : memref<128x64xi32, #tpu.memory_space<vmem>>) offsets(%dma_start3A_375 : memref<128xi32, #tpu.memory_space<vmem>>) semaphore(%arg14 : memref<!tpu.dma_semaphore, #tpu.memory_space<semaphore_mem>>)
    %dma_start3A_379 = arith.constant 3 : i32
    %dma_start3A_380 = arith.constant 384 : i32
    %dma_start3A_381 = arith.constant 0 : i32
    %dma_start3A_382 = tpu.memref_slice %arg8[%dma_start3A_380, %dma_start3A_381] : memref<512x64xi32, #tpu.memory_space<vmem>> -> memref<128x64xi32, #tpu.memory_space<vmem>>
    %dma_start3A_383 = arith.constant 0 : i32
    %dma_start3A_384 = tpu.memref_slice %arg7[%dma_start3A_379, %dma_start3A_383] : memref<4x128xi32, #tpu.memory_space<vmem>> -> memref<1x128xi32, #tpu.memory_space<vmem>>
    %dma_start3A_385 = tpu.memref_squeeze %dma_start3A_384 : memref<1x128xi32, #tpu.memory_space<vmem>> -> memref<128xi32, #tpu.memory_space<vmem>>
    %dma_start3A_386 = arith.constant 0 : i32
    %dma_start3A_387 = arith.constant 0 : i32
    %dma_start3A_388 = tpu.memref_slice %arg3[%dma_start3A_386, %dma_start3A_387] : memref<12500x64xi32, #tpu.memory_space<hbm>> -> memref<12500x64xi32, #tpu.memory_space<hbm>>
    tpu.enqueue_indirect_dma source(%dma_start3A_388 : memref<12500x64xi32, #tpu.memory_space<hbm>>) target(%dma_start3A_382 : memref<128x64xi32, #tpu.memory_space<vmem>>) offsets(%dma_start3A_385 : memref<128xi32, #tpu.memory_space<vmem>>) semaphore(%arg14 : memref<!tpu.dma_semaphore, #tpu.memory_space<semaphore_mem>>)
    %broadcast_in_dim3A = arith.constant 0.000000e+00 : f32
    %broadcast_in_dim3A_389 = vector.broadcast %broadcast_in_dim3A : f32 to vector<16xf32>
    %scan3A = arith.constant 0 : i32
    %scan3A_390 = arith.constant 0 : i32
    %scan3A_391 = arith.constant 128 : i32
    %scan3A_392 = arith.addi %scan3A_390, %scan3A_391 : i32
    %scan3A_393 = arith.constant 1 : i32
    scf.for %scan3A_642 = %scan3A_390 to %scan3A_392 step %scan3A_393  : i32 {
      %swap3A_643 = arith.index_cast %scan3A_642 : i32 to index
      %swap3A_644 = arith.constant 0 : index
      %swap3A_645 = tpu.vector_load %arg12[%swap3A_643, %swap3A_644] {strides = array<i32>} : memref<128x64xf32, #tpu.memory_space<vmem>>, vector<16xf32>,
      tpu.vector_store %arg12[%swap3A_643, %swap3A_644], %broadcast_in_dim3A_389 {strides = array<i32>} : memref<128x64xf32, #tpu.memory_space<vmem>>, vector<16xf32>,
      %swap3A_646 = arith.index_cast %scan3A_642 : i32 to index
      %swap3A_647 = arith.constant 16 : index
      %swap3A_648 = tpu.vector_load %arg12[%swap3A_646, %swap3A_647] {strides = array<i32>} : memref<128x64xf32, #tpu.memory_space<vmem>>, vector<16xf32>,
      tpu.vector_store %arg12[%swap3A_646, %swap3A_647], %broadcast_in_dim3A_389 {strides = array<i32>} : memref<128x64xf32, #tpu.memory_space<vmem>>, vector<16xf32>,
      %swap3A_649 = arith.index_cast %scan3A_642 : i32 to index
      %swap3A_650 = arith.constant 32 : index
      %swap3A_651 = tpu.vector_load %arg12[%swap3A_649, %swap3A_650] {strides = array<i32>} : memref<128x64xf32, #tpu.memory_space<vmem>>, vector<16xf32>,
      tpu.vector_store %arg12[%swap3A_649, %swap3A_650], %broadcast_in_dim3A_389 {strides = array<i32>} : memref<128x64xf32, #tpu.memory_space<vmem>>, vector<16xf32>,
      %swap3A_652 = arith.index_cast %scan3A_642 : i32 to index
      %swap3A_653 = arith.constant 48 : index
      %swap3A_654 = tpu.vector_load %arg12[%swap3A_652, %swap3A_653] {strides = array<i32>} : memref<128x64xf32, #tpu.memory_space<vmem>>, vector<16xf32>,
      tpu.vector_store %arg12[%swap3A_652, %swap3A_653], %broadcast_in_dim3A_389 {strides = array<i32>} : memref<128x64xf32, #tpu.memory_space<vmem>>, vector<16xf32>,
    }
    %scan3A_394 = arith.constant 128 : i32
    %barrier3A = arith.constant 0 : index
    tpu.barrier barrier_id(%barrier3A)
    %dma_wait3A = arith.constant 0 : i32
    %dma_wait3A_395 = arith.constant 0 : i32
    %dma_wait3A_396 = arith.constant 0 : i32
    %dma_wait3A_397 = tpu.memref_slice %arg8[%dma_wait3A_395, %dma_wait3A_396] : memref<512x64xi32, #tpu.memory_space<vmem>> -> memref<128x64xi32, #tpu.memory_space<vmem>>
    %dma_wait3A_398 = arith.constant 0 : i32
    %dma_wait3A_399 = tpu.memref_slice %arg7[%dma_wait3A, %dma_wait3A_398] : memref<4x128xi32, #tpu.memory_space<vmem>> -> memref<1x128xi32, #tpu.memory_space<vmem>>
    %dma_wait3A_400 = tpu.memref_squeeze %dma_wait3A_399 : memref<1x128xi32, #tpu.memory_space<vmem>> -> memref<128xi32, #tpu.memory_space<vmem>>
    %dma_wait3A_401 = arith.constant 0 : i32
    %dma_wait3A_402 = arith.constant 0 : i32
    %dma_wait3A_403 = tpu.memref_slice %arg3[%dma_wait3A_401, %dma_wait3A_402] : memref<12500x64xi32, #tpu.memory_space<hbm>> -> memref<12500x64xi32, #tpu.memory_space<hbm>>
    tpu.wait_indirect_dma semaphore(%arg14 : memref<!tpu.dma_semaphore, #tpu.memory_space<semaphore_mem>>) src(%dma_wait3A_403 : memref<12500x64xi32, #tpu.memory_space<hbm>>) dst(%dma_wait3A_397 : memref<128x64xi32, #tpu.memory_space<vmem>>)
    %dma_wait3A_404 = arith.constant 1 : i32
    %dma_wait3A_405 = arith.constant 128 : i32
    %dma_wait3A_406 = arith.constant 0 : i32
    %dma_wait3A_407 = tpu.memref_slice %arg8[%dma_wait3A_405, %dma_wait3A_406] : memref<512x64xi32, #tpu.memory_space<vmem>> -> memref<128x64xi32, #tpu.memory_space<vmem>>
    %dma_wait3A_408 = arith.constant 0 : i32
    %dma_wait3A_409 = tpu.memref_slice %arg7[%dma_wait3A_404, %dma_wait3A_408] : memref<4x128xi32, #tpu.memory_space<vmem>> -> memref<1x128xi32, #tpu.memory_space<vmem>>
    %dma_wait3A_410 = tpu.memref_squeeze %dma_wait3A_409 : memref<1x128xi32, #tpu.memory_space<vmem>> -> memref<128xi32, #tpu.memory_space<vmem>>
    %dma_wait3A_411 = arith.constant 0 : i32
    %dma_wait3A_412 = arith.constant 0 : i32
    %dma_wait3A_413 = tpu.memref_slice %arg3[%dma_wait3A_411, %dma_wait3A_412] : memref<12500x64xi32, #tpu.memory_space<hbm>> -> memref<12500x64xi32, #tpu.memory_space<hbm>>
    tpu.wait_indirect_dma semaphore(%arg14 : memref<!tpu.dma_semaphore, #tpu.memory_space<semaphore_mem>>) src(%dma_wait3A_413 : memref<12500x64xi32, #tpu.memory_space<hbm>>) dst(%dma_wait3A_407 : memref<128x64xi32, #tpu.memory_space<vmem>>)
    %dma_wait3A_414 = arith.constant 2 : i32
    %dma_wait3A_415 = arith.constant 256 : i32
    %dma_wait3A_416 = arith.constant 0 : i32
    %dma_wait3A_417 = tpu.memref_slice %arg8[%dma_wait3A_415, %dma_wait3A_416] : memref<512x64xi32, #tpu.memory_space<vmem>> -> memref<128x64xi32, #tpu.memory_space<vmem>>
    %dma_wait3A_418 = arith.constant 0 : i32
    %dma_wait3A_419 = tpu.memref_slice %arg7[%dma_wait3A_414, %dma_wait3A_418] : memref<4x128xi32, #tpu.memory_space<vmem>> -> memref<1x128xi32, #tpu.memory_space<vmem>>
    %dma_wait3A_420 = tpu.memref_squeeze %dma_wait3A_419 : memref<1x128xi32, #tpu.memory_space<vmem>> -> memref<128xi32, #tpu.memory_space<vmem>>
    %dma_wait3A_421 = arith.constant 0 : i32
    %dma_wait3A_422 = arith.constant 0 : i32
    %dma_wait3A_423 = tpu.memref_slice %arg3[%dma_wait3A_421, %dma_wait3A_422] : memref<12500x64xi32, #tpu.memory_space<hbm>> -> memref<12500x64xi32, #tpu.memory_space<hbm>>
    tpu.wait_indirect_dma semaphore(%arg14 : memref<!tpu.dma_semaphore, #tpu.memory_space<semaphore_mem>>) src(%dma_wait3A_423 : memref<12500x64xi32, #tpu.memory_space<hbm>>) dst(%dma_wait3A_417 : memref<128x64xi32, #tpu.memory_space<vmem>>)
    %dma_wait3A_424 = arith.constant 3 : i32
    %dma_wait3A_425 = arith.constant 384 : i32
    %dma_wait3A_426 = arith.constant 0 : i32
    %dma_wait3A_427 = tpu.memref_slice %arg8[%dma_wait3A_425, %dma_wait3A_426] : memref<512x64xi32, #tpu.memory_space<vmem>> -> memref<128x64xi32, #tpu.memory_space<vmem>>
    %dma_wait3A_428 = arith.constant 0 : i32
    %dma_wait3A_429 = tpu.memref_slice %arg7[%dma_wait3A_424, %dma_wait3A_428] : memref<4x128xi32, #tpu.memory_space<vmem>> -> memref<1x128xi32, #tpu.memory_space<vmem>>
    %dma_wait3A_430 = tpu.memref_squeeze %dma_wait3A_429 : memref<1x128xi32, #tpu.memory_space<vmem>> -> memref<128xi32, #tpu.memory_space<vmem>>
    %dma_wait3A_431 = arith.constant 0 : i32
    %dma_wait3A_432 = arith.constant 0 : i32
    %dma_wait3A_433 = tpu.memref_slice %arg3[%dma_wait3A_431, %dma_wait3A_432] : memref<12500x64xi32, #tpu.memory_space<hbm>> -> memref<12500x64xi32, #tpu.memory_space<hbm>>
    tpu.wait_indirect_dma semaphore(%arg14 : memref<!tpu.dma_semaphore, #tpu.memory_space<semaphore_mem>>) src(%dma_wait3A_433 : memref<12500x64xi32, #tpu.memory_space<hbm>>) dst(%dma_wait3A_427 : memref<128x64xi32, #tpu.memory_space<vmem>>)
    %iota3A = tpu.iota {dimensions = array<i32: 0>} : vector<16xi32>
    %scan3A_434 = arith.constant 0 : i32
    %scan3A_435 = arith.constant 0 : i32
    %scan3A_436 = arith.constant 32 : i32
    %scan3A_437 = arith.addi %scan3A_435, %scan3A_436 : i32
    %scan3A_438 = arith.constant 1 : i32
    scf.for %scan3A_642 = %scan3A_435 to %scan3A_437 step %scan3A_438  : i32 {
      %mul3A_643 = arith.constant 128 : i32
      %mul3A_644 = arith.muli %mul3A_643, %scan3A_642 : i32
      %add3A_645 = arith.constant 0 : i32
      %add3A_646 = arith.addi %mul3A_644, %add3A_645 : i32
      %add3A_647 = vector.broadcast %add3A_646 : i32 to vector<16xi32>
      %add3A_648 = arith.addi %add3A_647, %iota3A : vector<16xi32>
      %shift_right_arithmetic3A_649 = arith.constant 3 : i32
      %shift_right_arithmetic3A_650 = vector.broadcast %shift_right_arithmetic3A_649 : i32 to vector<16xi32>
      %shift_right_arithmetic3A_651 = arith.shrsi %add3A_648, %shift_right_arithmetic3A_650 : vector<16xi32>
      %shift_right_arithmetic3A_652 = arith.constant 7 : i32
      %shift_right_arithmetic3A_653 = vector.broadcast %shift_right_arithmetic3A_652 : i32 to vector<16xi32>
      %shift_right_arithmetic3A_654 = arith.shrsi %shift_right_arithmetic3A_651, %shift_right_arithmetic3A_653 : vector<16xi32>
      %and3A = arith.constant 127 : i32
      %and3A_655 = vector.broadcast %and3A : i32 to vector<16xi32>
      %and3A_656 = arith.andi %shift_right_arithmetic3A_651, %and3A_655 : vector<16xi32>
      %gather3A = tpu.vector_load_idx %arg6[%shift_right_arithmetic3A_654, %and3A_656] : memref<4x128xi32, #tpu.memory_space<vmem>>[vector<16xi32>, vector<16xi32>], vector<16xi32>,
      %and3A_657 = arith.constant 7 : i32
      %and3A_658 = vector.broadcast %and3A_657 : i32 to vector<16xi32>
      %and3A_659 = arith.andi %gather3A, %and3A_658 : vector<16xi32>
      %shift_left3A = arith.constant 3 : i32
      %shift_left3A_660 = vector.broadcast %shift_left3A : i32 to vector<16xi32>
      %shift_left3A_661 = arith.shli %and3A_659, %shift_left3A_660 : vector<16xi32>
      %and3A_662 = arith.constant 7 : i32
      %and3A_663 = vector.broadcast %and3A_662 : i32 to vector<16xi32>
      %and3A_664 = arith.andi %add3A_648, %and3A_663 : vector<16xi32>
      %or3A = arith.ori %shift_left3A_661, %and3A_664 : vector<16xi32>
      %gather3A_665 = tpu.vector_load_idx %arg8[%shift_right_arithmetic3A_651, %or3A] : memref<512x64xi32, #tpu.memory_space<vmem>>[vector<16xi32>, vector<16xi32>], vector<16xi32>,
      %shift_left3A_666 = arith.constant 1 : i32
      %shift_left3A_667 = vector.broadcast %shift_left3A_666 : i32 to vector<16xi32>
      %shift_left3A_668 = arith.shli %gather3A_665, %shift_left3A_667 : vector<16xi32>
      %swap3A_669 = arith.index_cast %scan3A_642 : i32 to index
      %swap3A_670 = arith.constant 0 : index
      %swap3A_671 = tpu.vector_load %arg9[%swap3A_669, %swap3A_670] {strides = array<i32>} : memref<32x128xi32, #tpu.memory_space<vmem>>, vector<16xi32>,
      tpu.vector_store %arg9[%swap3A_669, %swap3A_670], %shift_left3A_668 {strides = array<i32>} : memref<32x128xi32, #tpu.memory_space<vmem>>, vector<16xi32>,
      %mul3A_672 = arith.constant 512 : i32
      %mul3A_673 = arith.muli %arg1, %mul3A_672 : i32
      %add3A_674 = vector.broadcast %mul3A_673 : i32 to vector<16xi32>
      %add3A_675 = arith.addi %add3A_674, %shift_right_arithmetic3A_651 : vector<16xi32>
      %swap3A_676 = arith.index_cast %scan3A_642 : i32 to index
      %swap3A_677 = arith.constant 0 : index
      %swap3A_678 = tpu.vector_load %arg10[%swap3A_676, %swap3A_677] {strides = array<i32>} : memref<32x128xi32, #tpu.memory_space<vmem>>, vector<16xi32>,
      tpu.vector_store %arg10[%swap3A_676, %swap3A_677], %add3A_675 {strides = array<i32>} : memref<32x128xi32, #tpu.memory_space<vmem>>, vector<16xi32>,
      %mul3A_679 = arith.constant 128 : i32
      %mul3A_680 = arith.muli %mul3A_679, %scan3A_642 : i32
      %add3A_681 = arith.constant 16 : i32
      %add3A_682 = arith.addi %mul3A_680, %add3A_681 : i32
      %add3A_683 = vector.broadcast %add3A_682 : i32 to vector<16xi32>
      %add3A_684 = arith.addi %add3A_683, %iota3A : vector<16xi32>
      %shift_right_arithmetic3A_685 = arith.constant 3 : i32
      %shift_right_arithmetic3A_686 = vector.broadcast %shift_right_arithmetic3A_685 : i32 to vector<16xi32>
      %shift_right_arithmetic3A_687 = arith.shrsi %add3A_684, %shift_right_arithmetic3A_686 : vector<16xi32>
      %shift_right_arithmetic3A_688 = arith.constant 7 : i32
      %shift_right_arithmetic3A_689 = vector.broadcast %shift_right_arithmetic3A_688 : i32 to vector<16xi32>
      %shift_right_arithmetic3A_690 = arith.shrsi %shift_right_arithmetic3A_687, %shift_right_arithmetic3A_689 : vector<16xi32>
      %and3A_691 = arith.constant 127 : i32
      %and3A_692 = vector.broadcast %and3A_691 : i32 to vector<16xi32>
      %and3A_693 = arith.andi %shift_right_arithmetic3A_687, %and3A_692 : vector<16xi32>
      %gather3A_694 = tpu.vector_load_idx %arg6[%shift_right_arithmetic3A_690, %and3A_693] : memref<4x128xi32, #tpu.memory_space<vmem>>[vector<16xi32>, vector<16xi32>], vector<16xi32>,
      %and3A_695 = arith.constant 7 : i32
      %and3A_696 = vector.broadcast %and3A_695 : i32 to vector<16xi32>
      %and3A_697 = arith.andi %gather3A_694, %and3A_696 : vector<16xi32>
      %shift_left3A_698 = arith.constant 3 : i32
      %shift_left3A_699 = vector.broadcast %shift_left3A_698 : i32 to vector<16xi32>
      %shift_left3A_700 = arith.shli %and3A_697, %shift_left3A_699 : vector<16xi32>
      %and3A_701 = arith.constant 7 : i32
      %and3A_702 = vector.broadcast %and3A_701 : i32 to vector<16xi32>
      %and3A_703 = arith.andi %add3A_684, %and3A_702 : vector<16xi32>
      %or3A_704 = arith.ori %shift_left3A_700, %and3A_703 : vector<16xi32>
      %gather3A_705 = tpu.vector_load_idx %arg8[%shift_right_arithmetic3A_687, %or3A_704] : memref<512x64xi32, #tpu.memory_space<vmem>>[vector<16xi32>, vector<16xi32>], vector<16xi32>,
      %shift_left3A_706 = arith.constant 1 : i32
      %shift_left3A_707 = vector.broadcast %shift_left3A_706 : i32 to vector<16xi32>
      %shift_left3A_708 = arith.shli %gather3A_705, %shift_left3A_707 : vector<16xi32>
      %swap3A_709 = arith.index_cast %scan3A_642 : i32 to index
      %swap3A_710 = arith.constant 16 : index
      %swap3A_711 = tpu.vector_load %arg9[%swap3A_709, %swap3A_710] {strides = array<i32>} : memref<32x128xi32, #tpu.memory_space<vmem>>, vector<16xi32>,
      tpu.vector_store %arg9[%swap3A_709, %swap3A_710], %shift_left3A_708 {strides = array<i32>} : memref<32x128xi32, #tpu.memory_space<vmem>>, vector<16xi32>,
      %mul3A_712 = arith.constant 512 : i32
      %mul3A_713 = arith.muli %arg1, %mul3A_712 : i32
      %add3A_714 = vector.broadcast %mul3A_713 : i32 to vector<16xi32>
      %add3A_715 = arith.addi %add3A_714, %shift_right_arithmetic3A_687 : vector<16xi32>
      %swap3A_716 = arith.index_cast %scan3A_642 : i32 to index
      %swap3A_717 = arith.constant 16 : index
      %swap3A_718 = tpu.vector_load %arg10[%swap3A_716, %swap3A_717] {strides = array<i32>} : memref<32x128xi32, #tpu.memory_space<vmem>>, vector<16xi32>,
      tpu.vector_store %arg10[%swap3A_716, %swap3A_717], %add3A_715 {strides = array<i32>} : memref<32x128xi32, #tpu.memory_space<vmem>>, vector<16xi32>,
      %mul3A_719 = arith.constant 128 : i32
      %mul3A_720 = arith.muli %mul3A_719, %scan3A_642 : i32
      %add3A_721 = arith.constant 32 : i32
      %add3A_722 = arith.addi %mul3A_720, %add3A_721 : i32
      %add3A_723 = vector.broadcast %add3A_722 : i32 to vector<16xi32>
      %add3A_724 = arith.addi %add3A_723, %iota3A : vector<16xi32>
      %shift_right_arithmetic3A_725 = arith.constant 3 : i32
      %shift_right_arithmetic3A_726 = vector.broadcast %shift_right_arithmetic3A_725 : i32 to vector<16xi32>
      %shift_right_arithmetic3A_727 = arith.shrsi %add3A_724, %shift_right_arithmetic3A_726 : vector<16xi32>
      %shift_right_arithmetic3A_728 = arith.constant 7 : i32
      %shift_right_arithmetic3A_729 = vector.broadcast %shift_right_arithmetic3A_728 : i32 to vector<16xi32>
      %shift_right_arithmetic3A_730 = arith.shrsi %shift_right_arithmetic3A_727, %shift_right_arithmetic3A_729 : vector<16xi32>
      %and3A_731 = arith.constant 127 : i32
      %and3A_732 = vector.broadcast %and3A_731 : i32 to vector<16xi32>
      %and3A_733 = arith.andi %shift_right_arithmetic3A_727, %and3A_732 : vector<16xi32>
      %gather3A_734 = tpu.vector_load_idx %arg6[%shift_right_arithmetic3A_730, %and3A_733] : memref<4x128xi32, #tpu.memory_space<vmem>>[vector<16xi32>, vector<16xi32>], vector<16xi32>,
      %and3A_735 = arith.constant 7 : i32
      %and3A_736 = vector.broadcast %and3A_735 : i32 to vector<16xi32>
      %and3A_737 = arith.andi %gather3A_734, %and3A_736 : vector<16xi32>
      %shift_left3A_738 = arith.constant 3 : i32
      %shift_left3A_739 = vector.broadcast %shift_left3A_738 : i32 to vector<16xi32>
      %shift_left3A_740 = arith.shli %and3A_737, %shift_left3A_739 : vector<16xi32>
      %and3A_741 = arith.constant 7 : i32
      %and3A_742 = vector.broadcast %and3A_741 : i32 to vector<16xi32>
      %and3A_743 = arith.andi %add3A_724, %and3A_742 : vector<16xi32>
      %or3A_744 = arith.ori %shift_left3A_740, %and3A_743 : vector<16xi32>
      %gather3A_745 = tpu.vector_load_idx %arg8[%shift_right_arithmetic3A_727, %or3A_744] : memref<512x64xi32, #tpu.memory_space<vmem>>[vector<16xi32>, vector<16xi32>], vector<16xi32>,
      %shift_left3A_746 = arith.constant 1 : i32
      %shift_left3A_747 = vector.broadcast %shift_left3A_746 : i32 to vector<16xi32>
      %shift_left3A_748 = arith.shli %gather3A_745, %shift_left3A_747 : vector<16xi32>
      %swap3A_749 = arith.index_cast %scan3A_642 : i32 to index
      %swap3A_750 = arith.constant 32 : index
      %swap3A_751 = tpu.vector_load %arg9[%swap3A_749, %swap3A_750] {strides = array<i32>} : memref<32x128xi32, #tpu.memory_space<vmem>>, vector<16xi32>,
      tpu.vector_store %arg9[%swap3A_749, %swap3A_750], %shift_left3A_748 {strides = array<i32>} : memref<32x128xi32, #tpu.memory_space<vmem>>, vector<16xi32>,
      %mul3A_752 = arith.constant 512 : i32
      %mul3A_753 = arith.muli %arg1, %mul3A_752 : i32
      %add3A_754 = vector.broadcast %mul3A_753 : i32 to vector<16xi32>
      %add3A_755 = arith.addi %add3A_754, %shift_right_arithmetic3A_727 : vector<16xi32>
      %swap3A_756 = arith.index_cast %scan3A_642 : i32 to index
      %swap3A_757 = arith.constant 32 : index
      %swap3A_758 = tpu.vector_load %arg10[%swap3A_756, %swap3A_757] {strides = array<i32>} : memref<32x128xi32, #tpu.memory_space<vmem>>, vector<16xi32>,
      tpu.vector_store %arg10[%swap3A_756, %swap3A_757], %add3A_755 {strides = array<i32>} : memref<32x128xi32, #tpu.memory_space<vmem>>, vector<16xi32>,
      %mul3A_759 = arith.constant 128 : i32
      %mul3A_760 = arith.muli %mul3A_759, %scan3A_642 : i32
      %add3A_761 = arith.constant 48 : i32
      %add3A_762 = arith.addi %mul3A_760, %add3A_761 : i32
      %add3A_763 = vector.broadcast %add3A_762 : i32 to vector<16xi32>
      %add3A_764 = arith.addi %add3A_763, %iota3A : vector<16xi32>
      %shift_right_arithmetic3A_765 = arith.constant 3 : i32
      %shift_right_arithmetic3A_766 = vector.broadcast %shift_right_arithmetic3A_765 : i32 to vector<16xi32>
      %shift_right_arithmetic3A_767 = arith.shrsi %add3A_764, %shift_right_arithmetic3A_766 : vector<16xi32>
      %shift_right_arithmetic3A_768 = arith.constant 7 : i32
      %shift_right_arithmetic3A_769 = vector.broadcast %shift_right_arithmetic3A_768 : i32 to vector<16xi32>
      %shift_right_arithmetic3A_770 = arith.shrsi %shift_right_arithmetic3A_767, %shift_right_arithmetic3A_769 : vector<16xi32>
      %and3A_771 = arith.constant 127 : i32
      %and3A_772 = vector.broadcast %and3A_771 : i32 to vector<16xi32>
      %and3A_773 = arith.andi %shift_right_arithmetic3A_767, %and3A_772 : vector<16xi32>
      %gather3A_774 = tpu.vector_load_idx %arg6[%shift_right_arithmetic3A_770, %and3A_773] : memref<4x128xi32, #tpu.memory_space<vmem>>[vector<16xi32>, vector<16xi32>], vector<16xi32>,
      %and3A_775 = arith.constant 7 : i32
      %and3A_776 = vector.broadcast %and3A_775 : i32 to vector<16xi32>
      %and3A_777 = arith.andi %gather3A_774, %and3A_776 : vector<16xi32>
      %shift_left3A_778 = arith.constant 3 : i32
      %shift_left3A_779 = vector.broadcast %shift_left3A_778 : i32 to vector<16xi32>
      %shift_left3A_780 = arith.shli %and3A_777, %shift_left3A_779 : vector<16xi32>
      %and3A_781 = arith.constant 7 : i32
      %and3A_782 = vector.broadcast %and3A_781 : i32 to vector<16xi32>
      %and3A_783 = arith.andi %add3A_764, %and3A_782 : vector<16xi32>
      %or3A_784 = arith.ori %shift_left3A_780, %and3A_783 : vector<16xi32>
      %gather3A_785 = tpu.vector_load_idx %arg8[%shift_right_arithmetic3A_767, %or3A_784] : memref<512x64xi32, #tpu.memory_space<vmem>>[vector<16xi32>, vector<16xi32>], vector<16xi32>,
      %shift_left3A_786 = arith.constant 1 : i32
      %shift_left3A_787 = vector.broadcast %shift_left3A_786 : i32 to vector<16xi32>
      %shift_left3A_788 = arith.shli %gather3A_785, %shift_left3A_787 : vector<16xi32>
      %swap3A_789 = arith.index_cast %scan3A_642 : i32 to index
      %swap3A_790 = arith.constant 48 : index
      %swap3A_791 = tpu.vector_load %arg9[%swap3A_789, %swap3A_790] {strides = array<i32>} : memref<32x128xi32, #tpu.memory_space<vmem>>, vector<16xi32>,
      tpu.vector_store %arg9[%swap3A_789, %swap3A_790], %shift_left3A_788 {strides = array<i32>} : memref<32x128xi32, #tpu.memory_space<vmem>>, vector<16xi32>,
      %mul3A_792 = arith.constant 512 : i32
      %mul3A_793 = arith.muli %arg1, %mul3A_792 : i32
      %add3A_794 = vector.broadcast %mul3A_793 : i32 to vector<16xi32>
      %add3A_795 = arith.addi %add3A_794, %shift_right_arithmetic3A_767 : vector<16xi32>
      %swap3A_796 = arith.index_cast %scan3A_642 : i32 to index
      %swap3A_797 = arith.constant 48 : index
      %swap3A_798 = tpu.vector_load %arg10[%swap3A_796, %swap3A_797] {strides = array<i32>} : memref<32x128xi32, #tpu.memory_space<vmem>>, vector<16xi32>,
      tpu.vector_store %arg10[%swap3A_796, %swap3A_797], %add3A_795 {strides = array<i32>} : memref<32x128xi32, #tpu.memory_space<vmem>>, vector<16xi32>,
      %mul3A_799 = arith.constant 128 : i32
      %mul3A_800 = arith.muli %mul3A_799, %scan3A_642 : i32
      %add3A_801 = arith.constant 64 : i32
      %add3A_802 = arith.addi %mul3A_800, %add3A_801 : i32
      %add3A_803 = vector.broadcast %add3A_802 : i32 to vector<16xi32>
      %add3A_804 = arith.addi %add3A_803, %iota3A : vector<16xi32>
      %shift_right_arithmetic3A_805 = arith.constant 3 : i32
      %shift_right_arithmetic3A_806 = vector.broadcast %shift_right_arithmetic3A_805 : i32 to vector<16xi32>
      %shift_right_arithmetic3A_807 = arith.shrsi %add3A_804, %shift_right_arithmetic3A_806 : vector<16xi32>
      %shift_right_arithmetic3A_808 = arith.constant 7 : i32
      %shift_right_arithmetic3A_809 = vector.broadcast %shift_right_arithmetic3A_808 : i32 to vector<16xi32>
      %shift_right_arithmetic3A_810 = arith.shrsi %shift_right_arithmetic3A_807, %shift_right_arithmetic3A_809 : vector<16xi32>
      %and3A_811 = arith.constant 127 : i32
      %and3A_812 = vector.broadcast %and3A_811 : i32 to vector<16xi32>
      %and3A_813 = arith.andi %shift_right_arithmetic3A_807, %and3A_812 : vector<16xi32>
      %gather3A_814 = tpu.vector_load_idx %arg6[%shift_right_arithmetic3A_810, %and3A_813] : memref<4x128xi32, #tpu.memory_space<vmem>>[vector<16xi32>, vector<16xi32>], vector<16xi32>,
      %and3A_815 = arith.constant 7 : i32
      %and3A_816 = vector.broadcast %and3A_815 : i32 to vector<16xi32>
      %and3A_817 = arith.andi %gather3A_814, %and3A_816 : vector<16xi32>
      %shift_left3A_818 = arith.constant 3 : i32
      %shift_left3A_819 = vector.broadcast %shift_left3A_818 : i32 to vector<16xi32>
      %shift_left3A_820 = arith.shli %and3A_817, %shift_left3A_819 : vector<16xi32>
      %and3A_821 = arith.constant 7 : i32
      %and3A_822 = vector.broadcast %and3A_821 : i32 to vector<16xi32>
      %and3A_823 = arith.andi %add3A_804, %and3A_822 : vector<16xi32>
      %or3A_824 = arith.ori %shift_left3A_820, %and3A_823 : vector<16xi32>
      %gather3A_825 = tpu.vector_load_idx %arg8[%shift_right_arithmetic3A_807, %or3A_824] : memref<512x64xi32, #tpu.memory_space<vmem>>[vector<16xi32>, vector<16xi32>], vector<16xi32>,
      %shift_left3A_826 = arith.constant 1 : i32
      %shift_left3A_827 = vector.broadcast %shift_left3A_826 : i32 to vector<16xi32>
      %shift_left3A_828 = arith.shli %gather3A_825, %shift_left3A_827 : vector<16xi32>
      %swap3A_829 = arith.index_cast %scan3A_642 : i32 to index
      %swap3A_830 = arith.constant 64 : index
      %swap3A_831 = tpu.vector_load %arg9[%swap3A_829, %swap3A_830] {strides = array<i32>} : memref<32x128xi32, #tpu.memory_space<vmem>>, vector<16xi32>,
      tpu.vector_store %arg9[%swap3A_829, %swap3A_830], %shift_left3A_828 {strides = array<i32>} : memref<32x128xi32, #tpu.memory_space<vmem>>, vector<16xi32>,
      %mul3A_832 = arith.constant 512 : i32
      %mul3A_833 = arith.muli %arg1, %mul3A_832 : i32
      %add3A_834 = vector.broadcast %mul3A_833 : i32 to vector<16xi32>
      %add3A_835 = arith.addi %add3A_834, %shift_right_arithmetic3A_807 : vector<16xi32>
      %swap3A_836 = arith.index_cast %scan3A_642 : i32 to index
      %swap3A_837 = arith.constant 64 : index
      %swap3A_838 = tpu.vector_load %arg10[%swap3A_836, %swap3A_837] {strides = array<i32>} : memref<32x128xi32, #tpu.memory_space<vmem>>, vector<16xi32>,
      tpu.vector_store %arg10[%swap3A_836, %swap3A_837], %add3A_835 {strides = array<i32>} : memref<32x128xi32, #tpu.memory_space<vmem>>, vector<16xi32>,
      %mul3A_839 = arith.constant 128 : i32
      %mul3A_840 = arith.muli %mul3A_839, %scan3A_642 : i32
      %add3A_841 = arith.constant 80 : i32
      %add3A_842 = arith.addi %mul3A_840, %add3A_841 : i32
      %add3A_843 = vector.broadcast %add3A_842 : i32 to vector<16xi32>
      %add3A_844 = arith.addi %add3A_843, %iota3A : vector<16xi32>
      %shift_right_arithmetic3A_845 = arith.constant 3 : i32
      %shift_right_arithmetic3A_846 = vector.broadcast %shift_right_arithmetic3A_845 : i32 to vector<16xi32>
      %shift_right_arithmetic3A_847 = arith.shrsi %add3A_844, %shift_right_arithmetic3A_846 : vector<16xi32>
      %shift_right_arithmetic3A_848 = arith.constant 7 : i32
      %shift_right_arithmetic3A_849 = vector.broadcast %shift_right_arithmetic3A_848 : i32 to vector<16xi32>
      %shift_right_arithmetic3A_850 = arith.shrsi %shift_right_arithmetic3A_847, %shift_right_arithmetic3A_849 : vector<16xi32>
      %and3A_851 = arith.constant 127 : i32
      %and3A_852 = vector.broadcast %and3A_851 : i32 to vector<16xi32>
      %and3A_853 = arith.andi %shift_right_arithmetic3A_847, %and3A_852 : vector<16xi32>
      %gather3A_854 = tpu.vector_load_idx %arg6[%shift_right_arithmetic3A_850, %and3A_853] : memref<4x128xi32, #tpu.memory_space<vmem>>[vector<16xi32>, vector<16xi32>], vector<16xi32>,
      %and3A_855 = arith.constant 7 : i32
      %and3A_856 = vector.broadcast %and3A_855 : i32 to vector<16xi32>
      %and3A_857 = arith.andi %gather3A_854, %and3A_856 : vector<16xi32>
      %shift_left3A_858 = arith.constant 3 : i32
      %shift_left3A_859 = vector.broadcast %shift_left3A_858 : i32 to vector<16xi32>
      %shift_left3A_860 = arith.shli %and3A_857, %shift_left3A_859 : vector<16xi32>
      %and3A_861 = arith.constant 7 : i32
      %and3A_862 = vector.broadcast %and3A_861 : i32 to vector<16xi32>
      %and3A_863 = arith.andi %add3A_844, %and3A_862 : vector<16xi32>
      %or3A_864 = arith.ori %shift_left3A_860, %and3A_863 : vector<16xi32>
      %gather3A_865 = tpu.vector_load_idx %arg8[%shift_right_arithmetic3A_847, %or3A_864] : memref<512x64xi32, #tpu.memory_space<vmem>>[vector<16xi32>, vector<16xi32>], vector<16xi32>,
      %shift_left3A_866 = arith.constant 1 : i32
      %shift_left3A_867 = vector.broadcast %shift_left3A_866 : i32 to vector<16xi32>
      %shift_left3A_868 = arith.shli %gather3A_865, %shift_left3A_867 : vector<16xi32>
      %swap3A_869 = arith.index_cast %scan3A_642 : i32 to index
      %swap3A_870 = arith.constant 80 : index
      %swap3A_871 = tpu.vector_load %arg9[%swap3A_869, %swap3A_870] {strides = array<i32>} : memref<32x128xi32, #tpu.memory_space<vmem>>, vector<16xi32>,
      tpu.vector_store %arg9[%swap3A_869, %swap3A_870], %shift_left3A_868 {strides = array<i32>} : memref<32x128xi32, #tpu.memory_space<vmem>>, vector<16xi32>,
      %mul3A_872 = arith.constant 512 : i32
      %mul3A_873 = arith.muli %arg1, %mul3A_872 : i32
      %add3A_874 = vector.broadcast %mul3A_873 : i32 to vector<16xi32>
      %add3A_875 = arith.addi %add3A_874, %shift_right_arithmetic3A_847 : vector<16xi32>
      %swap3A_876 = arith.index_cast %scan3A_642 : i32 to index
      %swap3A_877 = arith.constant 80 : index
      %swap3A_878 = tpu.vector_load %arg10[%swap3A_876, %swap3A_877] {strides = array<i32>} : memref<32x128xi32, #tpu.memory_space<vmem>>, vector<16xi32>,
      tpu.vector_store %arg10[%swap3A_876, %swap3A_877], %add3A_875 {strides = array<i32>} : memref<32x128xi32, #tpu.memory_space<vmem>>, vector<16xi32>,
      %mul3A_879 = arith.constant 128 : i32
      %mul3A_880 = arith.muli %mul3A_879, %scan3A_642 : i32
      %add3A_881 = arith.constant 96 : i32
      %add3A_882 = arith.addi %mul3A_880, %add3A_881 : i32
      %add3A_883 = vector.broadcast %add3A_882 : i32 to vector<16xi32>
      %add3A_884 = arith.addi %add3A_883, %iota3A : vector<16xi32>
      %shift_right_arithmetic3A_885 = arith.constant 3 : i32
      %shift_right_arithmetic3A_886 = vector.broadcast %shift_right_arithmetic3A_885 : i32 to vector<16xi32>
      %shift_right_arithmetic3A_887 = arith.shrsi %add3A_884, %shift_right_arithmetic3A_886 : vector<16xi32>
      %shift_right_arithmetic3A_888 = arith.constant 7 : i32
      %shift_right_arithmetic3A_889 = vector.broadcast %shift_right_arithmetic3A_888 : i32 to vector<16xi32>
      %shift_right_arithmetic3A_890 = arith.shrsi %shift_right_arithmetic3A_887, %shift_right_arithmetic3A_889 : vector<16xi32>
      %and3A_891 = arith.constant 127 : i32
      %and3A_892 = vector.broadcast %and3A_891 : i32 to vector<16xi32>
      %and3A_893 = arith.andi %shift_right_arithmetic3A_887, %and3A_892 : vector<16xi32>
      %gather3A_894 = tpu.vector_load_idx %arg6[%shift_right_arithmetic3A_890, %and3A_893] : memref<4x128xi32, #tpu.memory_space<vmem>>[vector<16xi32>, vector<16xi32>], vector<16xi32>,
      %and3A_895 = arith.constant 7 : i32
      %and3A_896 = vector.broadcast %and3A_895 : i32 to vector<16xi32>
      %and3A_897 = arith.andi %gather3A_894, %and3A_896 : vector<16xi32>
      %shift_left3A_898 = arith.constant 3 : i32
      %shift_left3A_899 = vector.broadcast %shift_left3A_898 : i32 to vector<16xi32>
      %shift_left3A_900 = arith.shli %and3A_897, %shift_left3A_899 : vector<16xi32>
      %and3A_901 = arith.constant 7 : i32
      %and3A_902 = vector.broadcast %and3A_901 : i32 to vector<16xi32>
      %and3A_903 = arith.andi %add3A_884, %and3A_902 : vector<16xi32>
      %or3A_904 = arith.ori %shift_left3A_900, %and3A_903 : vector<16xi32>
      %gather3A_905 = tpu.vector_load_idx %arg8[%shift_right_arithmetic3A_887, %or3A_904] : memref<512x64xi32, #tpu.memory_space<vmem>>[vector<16xi32>, vector<16xi32>], vector<16xi32>,
      %shift_left3A_906 = arith.constant 1 : i32
      %shift_left3A_907 = vector.broadcast %shift_left3A_906 : i32 to vector<16xi32>
      %shift_left3A_908 = arith.shli %gather3A_905, %shift_left3A_907 : vector<16xi32>
      %swap3A_909 = arith.index_cast %scan3A_642 : i32 to index
      %swap3A_910 = arith.constant 96 : index
      %swap3A_911 = tpu.vector_load %arg9[%swap3A_909, %swap3A_910] {strides = array<i32>} : memref<32x128xi32, #tpu.memory_space<vmem>>, vector<16xi32>,
      tpu.vector_store %arg9[%swap3A_909, %swap3A_910], %shift_left3A_908 {strides = array<i32>} : memref<32x128xi32, #tpu.memory_space<vmem>>, vector<16xi32>,
      %mul3A_912 = arith.constant 512 : i32
      %mul3A_913 = arith.muli %arg1, %mul3A_912 : i32
      %add3A_914 = vector.broadcast %mul3A_913 : i32 to vector<16xi32>
      %add3A_915 = arith.addi %add3A_914, %shift_right_arithmetic3A_887 : vector<16xi32>
      %swap3A_916 = arith.index_cast %scan3A_642 : i32 to index
      %swap3A_917 = arith.constant 96 : index
      %swap3A_918 = tpu.vector_load %arg10[%swap3A_916, %swap3A_917] {strides = array<i32>} : memref<32x128xi32, #tpu.memory_space<vmem>>, vector<16xi32>,
      tpu.vector_store %arg10[%swap3A_916, %swap3A_917], %add3A_915 {strides = array<i32>} : memref<32x128xi32, #tpu.memory_space<vmem>>, vector<16xi32>,
      %mul3A_919 = arith.constant 128 : i32
      %mul3A_920 = arith.muli %mul3A_919, %scan3A_642 : i32
      %add3A_921 = arith.constant 112 : i32
      %add3A_922 = arith.addi %mul3A_920, %add3A_921 : i32
      %add3A_923 = vector.broadcast %add3A_922 : i32 to vector<16xi32>
      %add3A_924 = arith.addi %add3A_923, %iota3A : vector<16xi32>
      %shift_right_arithmetic3A_925 = arith.constant 3 : i32
      %shift_right_arithmetic3A_926 = vector.broadcast %shift_right_arithmetic3A_925 : i32 to vector<16xi32>
      %shift_right_arithmetic3A_927 = arith.shrsi %add3A_924, %shift_right_arithmetic3A_926 : vector<16xi32>
      %shift_right_arithmetic3A_928 = arith.constant 7 : i32
      %shift_right_arithmetic3A_929 = vector.broadcast %shift_right_arithmetic3A_928 : i32 to vector<16xi32>
      %shift_right_arithmetic3A_930 = arith.shrsi %shift_right_arithmetic3A_927, %shift_right_arithmetic3A_929 : vector<16xi32>
      %and3A_931 = arith.constant 127 : i32
      %and3A_932 = vector.broadcast %and3A_931 : i32 to vector<16xi32>
      %and3A_933 = arith.andi %shift_right_arithmetic3A_927, %and3A_932 : vector<16xi32>
      %gather3A_934 = tpu.vector_load_idx %arg6[%shift_right_arithmetic3A_930, %and3A_933] : memref<4x128xi32, #tpu.memory_space<vmem>>[vector<16xi32>, vector<16xi32>], vector<16xi32>,
      %and3A_935 = arith.constant 7 : i32
      %and3A_936 = vector.broadcast %and3A_935 : i32 to vector<16xi32>
      %and3A_937 = arith.andi %gather3A_934, %and3A_936 : vector<16xi32>
      %shift_left3A_938 = arith.constant 3 : i32
      %shift_left3A_939 = vector.broadcast %shift_left3A_938 : i32 to vector<16xi32>
      %shift_left3A_940 = arith.shli %and3A_937, %shift_left3A_939 : vector<16xi32>
      %and3A_941 = arith.constant 7 : i32
      %and3A_942 = vector.broadcast %and3A_941 : i32 to vector<16xi32>
      %and3A_943 = arith.andi %add3A_924, %and3A_942 : vector<16xi32>
      %or3A_944 = arith.ori %shift_left3A_940, %and3A_943 : vector<16xi32>
      %gather3A_945 = tpu.vector_load_idx %arg8[%shift_right_arithmetic3A_927, %or3A_944] : memref<512x64xi32, #tpu.memory_space<vmem>>[vector<16xi32>, vector<16xi32>], vector<16xi32>,
      %shift_left3A_946 = arith.constant 1 : i32
      %shift_left3A_947 = vector.broadcast %shift_left3A_946 : i32 to vector<16xi32>
      %shift_left3A_948 = arith.shli %gather3A_945, %shift_left3A_947 : vector<16xi32>
      %swap3A_949 = arith.index_cast %scan3A_642 : i32 to index
      %swap3A_950 = arith.constant 112 : index
      %swap3A_951 = tpu.vector_load %arg9[%swap3A_949, %swap3A_950] {strides = array<i32>} : memref<32x128xi32, #tpu.memory_space<vmem>>, vector<16xi32>,
      tpu.vector_store %arg9[%swap3A_949, %swap3A_950], %shift_left3A_948 {strides = array<i32>} : memref<32x128xi32, #tpu.memory_space<vmem>>, vector<16xi32>,
      %mul3A_952 = arith.constant 512 : i32
      %mul3A_953 = arith.muli %arg1, %mul3A_952 : i32
      %add3A_954 = vector.broadcast %mul3A_953 : i32 to vector<16xi32>
      %add3A_955 = arith.addi %add3A_954, %shift_right_arithmetic3A_927 : vector<16xi32>
      %swap3A_956 = arith.index_cast %scan3A_642 : i32 to index
      %swap3A_957 = arith.constant 112 : index
      %swap3A_958 = tpu.vector_load %arg10[%swap3A_956, %swap3A_957] {strides = array<i32>} : memref<32x128xi32, #tpu.memory_space<vmem>>, vector<16xi32>,
      tpu.vector_store %arg10[%swap3A_956, %swap3A_957], %add3A_955 {strides = array<i32>} : memref<32x128xi32, #tpu.memory_space<vmem>>, vector<16xi32>,
    }
    %scan3A_439 = arith.constant 32 : i32
    %mul3A_440 = arith.constant 512 : i32
    %mul3A_441 = arith.muli %arg1, %mul3A_440 : i32
    %add3A_442 = arith.constant 0 : i32
    %add3A_443 = arith.addi %mul3A_441, %add3A_442 : i32
    %dma_start3A_444 = arith.constant 0 : i32
    %dma_start3A_445 = tpu.memref_slice %arg13[%add3A_443, %dma_start3A_444] : memref<8192x64xf32, #tpu.memory_space<vmem_shared>> -> memref<128x64xf32, #tpu.memory_space<vmem_shared>>
    %dma_start3A_446 = arith.constant 0 : i32
    %dma_start3A_447 = tpu.memref_slice %arg13[%add3A_443, %dma_start3A_446] : memref<8192x64xf32, #tpu.memory_space<vmem_shared>> -> memref<128x64xf32, #tpu.memory_space<vmem_shared>>
    tpu.enqueue_dma source(%arg12 : memref<128x64xf32, #tpu.memory_space<vmem>>) target(%dma_start3A_447 : memref<128x64xf32, #tpu.memory_space<vmem_shared>>) target_semaphore(%arg16 : memref<!tpu.dma_semaphore, #tpu.memory_space<semaphore_mem>>)
    %mul3A_448 = arith.constant 512 : i32
    %mul3A_449 = arith.muli %arg1, %mul3A_448 : i32
    %add3A_450 = arith.constant 128 : i32
    %add3A_451 = arith.addi %mul3A_449, %add3A_450 : i32
    %dma_start3A_452 = arith.constant 0 : i32
    %dma_start3A_453 = tpu.memref_slice %arg13[%add3A_451, %dma_start3A_452] : memref<8192x64xf32, #tpu.memory_space<vmem_shared>> -> memref<128x64xf32, #tpu.memory_space<vmem_shared>>
    %dma_start3A_454 = arith.constant 0 : i32
    %dma_start3A_455 = tpu.memref_slice %arg13[%add3A_451, %dma_start3A_454] : memref<8192x64xf32, #tpu.memory_space<vmem_shared>> -> memref<128x64xf32, #tpu.memory_space<vmem_shared>>
    tpu.enqueue_dma source(%arg12 : memref<128x64xf32, #tpu.memory_space<vmem>>) target(%dma_start3A_455 : memref<128x64xf32, #tpu.memory_space<vmem_shared>>) target_semaphore(%arg16 : memref<!tpu.dma_semaphore, #tpu.memory_space<semaphore_mem>>)
    %mul3A_456 = arith.constant 512 : i32
    %mul3A_457 = arith.muli %arg1, %mul3A_456 : i32
    %add3A_458 = arith.constant 256 : i32
    %add3A_459 = arith.addi %mul3A_457, %add3A_458 : i32
    %dma_start3A_460 = arith.constant 0 : i32
    %dma_start3A_461 = tpu.memref_slice %arg13[%add3A_459, %dma_start3A_460] : memref<8192x64xf32, #tpu.memory_space<vmem_shared>> -> memref<128x64xf32, #tpu.memory_space<vmem_shared>>
    %dma_start3A_462 = arith.constant 0 : i32
    %dma_start3A_463 = tpu.memref_slice %arg13[%add3A_459, %dma_start3A_462] : memref<8192x64xf32, #tpu.memory_space<vmem_shared>> -> memref<128x64xf32, #tpu.memory_space<vmem_shared>>
    tpu.enqueue_dma source(%arg12 : memref<128x64xf32, #tpu.memory_space<vmem>>) target(%dma_start3A_463 : memref<128x64xf32, #tpu.memory_space<vmem_shared>>) target_semaphore(%arg16 : memref<!tpu.dma_semaphore, #tpu.memory_space<semaphore_mem>>)
    %mul3A_464 = arith.constant 512 : i32
    %mul3A_465 = arith.muli %arg1, %mul3A_464 : i32
    %add3A_466 = arith.constant 384 : i32
    %add3A_467 = arith.addi %mul3A_465, %add3A_466 : i32
    %dma_start3A_468 = arith.constant 0 : i32
    %dma_start3A_469 = tpu.memref_slice %arg13[%add3A_467, %dma_start3A_468] : memref<8192x64xf32, #tpu.memory_space<vmem_shared>> -> memref<128x64xf32, #tpu.memory_space<vmem_shared>>
    %dma_start3A_470 = arith.constant 0 : i32
    %dma_start3A_471 = tpu.memref_slice %arg13[%add3A_467, %dma_start3A_470] : memref<8192x64xf32, #tpu.memory_space<vmem_shared>> -> memref<128x64xf32, #tpu.memory_space<vmem_shared>>
    tpu.enqueue_dma source(%arg12 : memref<128x64xf32, #tpu.memory_space<vmem>>) target(%dma_start3A_471 : memref<128x64xf32, #tpu.memory_space<vmem_shared>>) target_semaphore(%arg16 : memref<!tpu.dma_semaphore, #tpu.memory_space<semaphore_mem>>)
    %mul3A_472 = arith.constant 512 : i32
    %mul3A_473 = arith.muli %arg1, %mul3A_472 : i32
    %dma_wait3A_474 = arith.constant 0 : i32
    %dma_wait3A_475 = tpu.memref_slice %arg13[%mul3A_473, %dma_wait3A_474] : memref<8192x64xf32, #tpu.memory_space<vmem_shared>> -> memref<128x64xf32, #tpu.memory_space<vmem_shared>>
    %dma_wait3A_476 = arith.constant 0 : i32
    %dma_wait3A_477 = tpu.memref_slice %arg13[%mul3A_473, %dma_wait3A_476] : memref<8192x64xf32, #tpu.memory_space<vmem_shared>> -> memref<128x64xf32, #tpu.memory_space<vmem_shared>>
    tpu.wait_dma2 semaphore(%arg16 : memref<!tpu.dma_semaphore, #tpu.memory_space<semaphore_mem>>) src(%arg12 : memref<128x64xf32, #tpu.memory_space<vmem>>) dst(%dma_wait3A_477 : memref<128x64xf32, #tpu.memory_space<vmem_shared>>)
    %mul3A_478 = arith.constant 512 : i32
    %mul3A_479 = arith.muli %arg1, %mul3A_478 : i32
    %dma_wait3A_480 = arith.constant 0 : i32
    %dma_wait3A_481 = tpu.memref_slice %arg13[%mul3A_479, %dma_wait3A_480] : memref<8192x64xf32, #tpu.memory_space<vmem_shared>> -> memref<128x64xf32, #tpu.memory_space<vmem_shared>>
    %dma_wait3A_482 = arith.constant 0 : i32
    %dma_wait3A_483 = tpu.memref_slice %arg13[%mul3A_479, %dma_wait3A_482] : memref<8192x64xf32, #tpu.memory_space<vmem_shared>> -> memref<128x64xf32, #tpu.memory_space<vmem_shared>>
    tpu.wait_dma2 semaphore(%arg16 : memref<!tpu.dma_semaphore, #tpu.memory_space<semaphore_mem>>) src(%arg12 : memref<128x64xf32, #tpu.memory_space<vmem>>) dst(%dma_wait3A_483 : memref<128x64xf32, #tpu.memory_space<vmem_shared>>)
    %mul3A_484 = arith.constant 512 : i32
    %mul3A_485 = arith.muli %arg1, %mul3A_484 : i32
    %dma_wait3A_486 = arith.constant 0 : i32
    %dma_wait3A_487 = tpu.memref_slice %arg13[%mul3A_485, %dma_wait3A_486] : memref<8192x64xf32, #tpu.memory_space<vmem_shared>> -> memref<128x64xf32, #tpu.memory_space<vmem_shared>>
    %dma_wait3A_488 = arith.constant 0 : i32
    %dma_wait3A_489 = tpu.memref_slice %arg13[%mul3A_485, %dma_wait3A_488] : memref<8192x64xf32, #tpu.memory_space<vmem_shared>> -> memref<128x64xf32, #tpu.memory_space<vmem_shared>>
    tpu.wait_dma2 semaphore(%arg16 : memref<!tpu.dma_semaphore, #tpu.memory_space<semaphore_mem>>) src(%arg12 : memref<128x64xf32, #tpu.memory_space<vmem>>) dst(%dma_wait3A_489 : memref<128x64xf32, #tpu.memory_space<vmem_shared>>)
    %mul3A_490 = arith.constant 512 : i32
    %mul3A_491 = arith.muli %arg1, %mul3A_490 : i32
    %dma_wait3A_492 = arith.constant 0 : i32
    %dma_wait3A_493 = tpu.memref_slice %arg13[%mul3A_491, %dma_wait3A_492] : memref<8192x64xf32, #tpu.memory_space<vmem_shared>> -> memref<128x64xf32, #tpu.memory_space<vmem_shared>>
    %dma_wait3A_494 = arith.constant 0 : i32
    %dma_wait3A_495 = tpu.memref_slice %arg13[%mul3A_491, %dma_wait3A_494] : memref<8192x64xf32, #tpu.memory_space<vmem_shared>> -> memref<128x64xf32, #tpu.memory_space<vmem_shared>>
    tpu.wait_dma2 semaphore(%arg16 : memref<!tpu.dma_semaphore, #tpu.memory_space<semaphore_mem>>) src(%arg12 : memref<128x64xf32, #tpu.memory_space<vmem>>) dst(%dma_wait3A_495 : memref<128x64xf32, #tpu.memory_space<vmem_shared>>)
    %dma_start3A_496 = arith.constant 0 : i32
    %dma_start3A_497 = arith.constant 0 : i32
    %dma_start3A_498 = arith.constant 0 : i32
    %dma_start3A_499 = arith.constant 0 : i32
    %dma_start3A_500 = arith.constant 0 : i32
    %dma_start3A_501 = tpu.memref_slice %arg11[%dma_start3A_497, %dma_start3A_499, %dma_start3A_500] : memref<3x128x64xf32, #tpu.memory_space<vmem>> -> memref<1x128x64xf32, #tpu.memory_space<vmem>>
    %dma_start3A_502 = tpu.memref_squeeze %dma_start3A_501 : memref<1x128x64xf32, #tpu.memory_space<vmem>> -> memref<128x64xf32, #tpu.memory_space<vmem>>
    %dma_start3A_503 = arith.constant 0 : i32
    %dma_start3A_504 = tpu.memref_slice %arg9[%dma_start3A_496, %dma_start3A_503] : memref<32x128xi32, #tpu.memory_space<vmem>> -> memref<1x128xi32, #tpu.memory_space<vmem>>
    %dma_start3A_505 = tpu.memref_squeeze %dma_start3A_504 : memref<1x128xi32, #tpu.memory_space<vmem>> -> memref<128xi32, #tpu.memory_space<vmem>>
    %dma_start3A_506 = arith.constant 0 : i32
    %dma_start3A_507 = arith.constant 0 : i32
    %dma_start3A_508 = tpu.memref_slice %arg4[%dma_start3A_506, %dma_start3A_507] : memref<200000x64xf32, #tpu.memory_space<hbm>> -> memref<200000x64xf32, #tpu.memory_space<hbm>>
    %dma_start3A_509 = tpu.memref_slice %arg15[%dma_start3A_498] : memref<3x!tpu.dma_semaphore, #tpu.memory_space<semaphore_mem>> -> memref<1x!tpu.dma_semaphore, #tpu.memory_space<semaphore_mem>>
    %dma_start3A_510 = tpu.memref_squeeze %dma_start3A_509 : memref<1x!tpu.dma_semaphore, #tpu.memory_space<semaphore_mem>> -> memref<!tpu.dma_semaphore, #tpu.memory_space<semaphore_mem>>
    tpu.enqueue_indirect_dma source(%dma_start3A_508 : memref<200000x64xf32, #tpu.memory_space<hbm>>) target(%dma_start3A_502 : memref<128x64xf32, #tpu.memory_space<vmem>>) offsets(%dma_start3A_505 : memref<128xi32, #tpu.memory_space<vmem>>) semaphore(%dma_start3A_510 : memref<!tpu.dma_semaphore, #tpu.memory_space<semaphore_mem>>)
    %dma_start3A_511 = arith.constant 1 : i32
    %dma_start3A_512 = arith.constant 1 : i32
    %dma_start3A_513 = arith.constant 1 : i32
    %dma_start3A_514 = arith.constant 0 : i32
    %dma_start3A_515 = arith.constant 0 : i32
    %dma_start3A_516 = tpu.memref_slice %arg11[%dma_start3A_512, %dma_start3A_514, %dma_start3A_515] : memref<3x128x64xf32, #tpu.memory_space<vmem>> -> memref<1x128x64xf32, #tpu.memory_space<vmem>>
    %dma_start3A_517 = tpu.memref_squeeze %dma_start3A_516 : memref<1x128x64xf32, #tpu.memory_space<vmem>> -> memref<128x64xf32, #tpu.memory_space<vmem>>
    %dma_start3A_518 = arith.constant 0 : i32
    %dma_start3A_519 = tpu.memref_slice %arg9[%dma_start3A_511, %dma_start3A_518] : memref<32x128xi32, #tpu.memory_space<vmem>> -> memref<1x128xi32, #tpu.memory_space<vmem>>
    %dma_start3A_520 = tpu.memref_squeeze %dma_start3A_519 : memref<1x128xi32, #tpu.memory_space<vmem>> -> memref<128xi32, #tpu.memory_space<vmem>>
    %dma_start3A_521 = arith.constant 0 : i32
    %dma_start3A_522 = arith.constant 0 : i32
    %dma_start3A_523 = tpu.memref_slice %arg4[%dma_start3A_521, %dma_start3A_522] : memref<200000x64xf32, #tpu.memory_space<hbm>> -> memref<200000x64xf32, #tpu.memory_space<hbm>>
    %dma_start3A_524 = tpu.memref_slice %arg15[%dma_start3A_513] : memref<3x!tpu.dma_semaphore, #tpu.memory_space<semaphore_mem>> -> memref<1x!tpu.dma_semaphore, #tpu.memory_space<semaphore_mem>>
    %dma_start3A_525 = tpu.memref_squeeze %dma_start3A_524 : memref<1x!tpu.dma_semaphore, #tpu.memory_space<semaphore_mem>> -> memref<!tpu.dma_semaphore, #tpu.memory_space<semaphore_mem>>
    tpu.enqueue_indirect_dma source(%dma_start3A_523 : memref<200000x64xf32, #tpu.memory_space<hbm>>) target(%dma_start3A_517 : memref<128x64xf32, #tpu.memory_space<vmem>>) offsets(%dma_start3A_520 : memref<128xi32, #tpu.memory_space<vmem>>) semaphore(%dma_start3A_525 : memref<!tpu.dma_semaphore, #tpu.memory_space<semaphore_mem>>)
    %dma_start3A_526 = arith.constant 2 : i32
    %dma_start3A_527 = arith.constant 2 : i32
    %dma_start3A_528 = arith.constant 2 : i32
    %dma_start3A_529 = arith.constant 0 : i32
    %dma_start3A_530 = arith.constant 0 : i32
    %dma_start3A_531 = tpu.memref_slice %arg11[%dma_start3A_527, %dma_start3A_529, %dma_start3A_530] : memref<3x128x64xf32, #tpu.memory_space<vmem>> -> memref<1x128x64xf32, #tpu.memory_space<vmem>>
    %dma_start3A_532 = tpu.memref_squeeze %dma_start3A_531 : memref<1x128x64xf32, #tpu.memory_space<vmem>> -> memref<128x64xf32, #tpu.memory_space<vmem>>
    %dma_start3A_533 = arith.constant 0 : i32
    %dma_start3A_534 = tpu.memref_slice %arg9[%dma_start3A_526, %dma_start3A_533] : memref<32x128xi32, #tpu.memory_space<vmem>> -> memref<1x128xi32, #tpu.memory_space<vmem>>
    %dma_start3A_535 = tpu.memref_squeeze %dma_start3A_534 : memref<1x128xi32, #tpu.memory_space<vmem>> -> memref<128xi32, #tpu.memory_space<vmem>>
    %dma_start3A_536 = arith.constant 0 : i32
    %dma_start3A_537 = arith.constant 0 : i32
    %dma_start3A_538 = tpu.memref_slice %arg4[%dma_start3A_536, %dma_start3A_537] : memref<200000x64xf32, #tpu.memory_space<hbm>> -> memref<200000x64xf32, #tpu.memory_space<hbm>>
    %dma_start3A_539 = tpu.memref_slice %arg15[%dma_start3A_528] : memref<3x!tpu.dma_semaphore, #tpu.memory_space<semaphore_mem>> -> memref<1x!tpu.dma_semaphore, #tpu.memory_space<semaphore_mem>>
    %dma_start3A_540 = tpu.memref_squeeze %dma_start3A_539 : memref<1x!tpu.dma_semaphore, #tpu.memory_space<semaphore_mem>> -> memref<!tpu.dma_semaphore, #tpu.memory_space<semaphore_mem>>
    tpu.enqueue_indirect_dma source(%dma_start3A_538 : memref<200000x64xf32, #tpu.memory_space<hbm>>) target(%dma_start3A_532 : memref<128x64xf32, #tpu.memory_space<vmem>>) offsets(%dma_start3A_535 : memref<128xi32, #tpu.memory_space<vmem>>) semaphore(%dma_start3A_540 : memref<!tpu.dma_semaphore, #tpu.memory_space<semaphore_mem>>)
    %scan3A_541 = arith.constant 0 : i32
    %scan3A_542 = arith.constant 0 : i32
    %scan3A_543 = arith.constant 10 : i32
    %scan3A_544 = arith.addi %scan3A_542, %scan3A_543 : i32
    %scan3A_545 = arith.constant 1 : i32
    scf.for %scan3A_642 = %scan3A_542 to %scan3A_544 step %scan3A_545  : i32 {
      %mul3A_643 = arith.constant 3 : i32
      %mul3A_644 = arith.muli %scan3A_642, %mul3A_643 : i32
      %add3A_645 = arith.constant 0 : i32
      %add3A_646 = arith.addi %mul3A_644, %add3A_645 : i32
      %dma_wait3A_647 = arith.constant 0 : i32
      %dma_wait3A_648 = arith.constant 0 : i32
      %dma_wait3A_649 = arith.constant 0 : i32
      %dma_wait3A_650 = arith.constant 0 : i32
      %dma_wait3A_651 = arith.constant 0 : i32
      %dma_wait3A_652 = tpu.memref_slice %arg11[%dma_wait3A_648, %dma_wait3A_650, %dma_wait3A_651] : memref<3x128x64xf32, #tpu.memory_space<vmem>> -> memref<1x128x64xf32, #tpu.memory_space<vmem>>
      %dma_wait3A_653 = tpu.memref_squeeze %dma_wait3A_652 : memref<1x128x64xf32, #tpu.memory_space<vmem>> -> memref<128x64xf32, #tpu.memory_space<vmem>>
      %dma_wait3A_654 = arith.constant 0 : i32
      %dma_wait3A_655 = tpu.memref_slice %arg9[%dma_wait3A_647, %dma_wait3A_654] : memref<32x128xi32, #tpu.memory_space<vmem>> -> memref<1x128xi32, #tpu.memory_space<vmem>>
      %dma_wait3A_656 = tpu.memref_squeeze %dma_wait3A_655 : memref<1x128xi32, #tpu.memory_space<vmem>> -> memref<128xi32, #tpu.memory_space<vmem>>
      %dma_wait3A_657 = arith.constant 0 : i32
      %dma_wait3A_658 = arith.constant 0 : i32
      %dma_wait3A_659 = tpu.memref_slice %arg4[%dma_wait3A_657, %dma_wait3A_658] : memref<200000x64xf32, #tpu.memory_space<hbm>> -> memref<200000x64xf32, #tpu.memory_space<hbm>>
      %dma_wait3A_660 = tpu.memref_slice %arg15[%dma_wait3A_649] : memref<3x!tpu.dma_semaphore, #tpu.memory_space<semaphore_mem>> -> memref<1x!tpu.dma_semaphore, #tpu.memory_space<semaphore_mem>>
      %dma_wait3A_661 = tpu.memref_squeeze %dma_wait3A_660 : memref<1x!tpu.dma_semaphore, #tpu.memory_space<semaphore_mem>> -> memref<!tpu.dma_semaphore, #tpu.memory_space<semaphore_mem>>
      tpu.wait_indirect_dma semaphore(%dma_wait3A_661 : memref<!tpu.dma_semaphore, #tpu.memory_space<semaphore_mem>>) src(%dma_wait3A_659 : memref<200000x64xf32, #tpu.memory_space<hbm>>) dst(%dma_wait3A_653 : memref<128x64xf32, #tpu.memory_space<vmem>>)
      %dma_start3A_662 = arith.constant 0 : i32
      %dma_start3A_663 = arith.constant 0 : i32
      %dma_start3A_664 = arith.constant 0 : i32
      %dma_start3A_665 = arith.constant 0 : i32
      %dma_start3A_666 = tpu.memref_slice %arg11[%dma_start3A_662, %dma_start3A_664, %dma_start3A_665] : memref<3x128x64xf32, #tpu.memory_space<vmem>> -> memref<1x128x64xf32, #tpu.memory_space<vmem>>
      %dma_start3A_667 = tpu.memref_squeeze %dma_start3A_666 : memref<1x128x64xf32, #tpu.memory_space<vmem>> -> memref<128x64xf32, #tpu.memory_space<vmem>>
      %dma_start3A_668 = arith.constant 0 : i32
      %dma_start3A_669 = tpu.memref_slice %arg10[%add3A_646, %dma_start3A_668] : memref<32x128xi32, #tpu.memory_space<vmem>> -> memref<1x128xi32, #tpu.memory_space<vmem>>
      %dma_start3A_670 = tpu.memref_squeeze %dma_start3A_669 : memref<1x128xi32, #tpu.memory_space<vmem>> -> memref<128xi32, #tpu.memory_space<vmem>>
      %dma_start3A_671 = arith.constant 0 : i32
      %dma_start3A_672 = arith.constant 0 : i32
      %dma_start3A_673 = tpu.memref_slice %arg13[%dma_start3A_671, %dma_start3A_672] : memref<8192x64xf32, #tpu.memory_space<vmem_shared>> -> memref<8192x64xf32, #tpu.memory_space<vmem_shared>>
      %dma_start3A_674 = tpu.memref_slice %arg15[%dma_start3A_663] : memref<3x!tpu.dma_semaphore, #tpu.memory_space<semaphore_mem>> -> memref<1x!tpu.dma_semaphore, #tpu.memory_space<semaphore_mem>>
      %dma_start3A_675 = tpu.memref_squeeze %dma_start3A_674 : memref<1x!tpu.dma_semaphore, #tpu.memory_space<semaphore_mem>> -> memref<!tpu.dma_semaphore, #tpu.memory_space<semaphore_mem>>
      tpu.enqueue_indirect_dma source(%dma_start3A_667 : memref<128x64xf32, #tpu.memory_space<vmem>>) target(%dma_start3A_673 : memref<8192x64xf32, #tpu.memory_space<vmem_shared>>) offsets(%dma_start3A_670 : memref<128xi32, #tpu.memory_space<vmem>>) semaphore(%dma_start3A_675 : memref<!tpu.dma_semaphore, #tpu.memory_space<semaphore_mem>>) {add = true}
      %dma_wait3A_676 = arith.constant 0 : i32
      %dma_wait3A_677 = arith.constant 0 : i32
      %dma_wait3A_678 = arith.constant 0 : i32
      %dma_wait3A_679 = arith.constant 0 : i32
      %dma_wait3A_680 = tpu.memref_slice %arg11[%dma_wait3A_676, %dma_wait3A_678, %dma_wait3A_679] : memref<3x128x64xf32, #tpu.memory_space<vmem>> -> memref<1x128x64xf32, #tpu.memory_space<vmem>>
      %dma_wait3A_681 = tpu.memref_squeeze %dma_wait3A_680 : memref<1x128x64xf32, #tpu.memory_space<vmem>> -> memref<128x64xf32, #tpu.memory_space<vmem>>
      %dma_wait3A_682 = arith.constant 0 : i32
      %dma_wait3A_683 = tpu.memref_slice %arg10[%add3A_646, %dma_wait3A_682] : memref<32x128xi32, #tpu.memory_space<vmem>> -> memref<1x128xi32, #tpu.memory_space<vmem>>
      %dma_wait3A_684 = tpu.memref_squeeze %dma_wait3A_683 : memref<1x128xi32, #tpu.memory_space<vmem>> -> memref<128xi32, #tpu.memory_space<vmem>>
      %dma_wait3A_685 = arith.constant 0 : i32
      %dma_wait3A_686 = arith.constant 0 : i32
      %dma_wait3A_687 = tpu.memref_slice %arg13[%dma_wait3A_685, %dma_wait3A_686] : memref<8192x64xf32, #tpu.memory_space<vmem_shared>> -> memref<8192x64xf32, #tpu.memory_space<vmem_shared>>
      %dma_wait3A_688 = tpu.memref_slice %arg15[%dma_wait3A_677] : memref<3x!tpu.dma_semaphore, #tpu.memory_space<semaphore_mem>> -> memref<1x!tpu.dma_semaphore, #tpu.memory_space<semaphore_mem>>
      %dma_wait3A_689 = tpu.memref_squeeze %dma_wait3A_688 : memref<1x!tpu.dma_semaphore, #tpu.memory_space<semaphore_mem>> -> memref<!tpu.dma_semaphore, #tpu.memory_space<semaphore_mem>>
      tpu.wait_indirect_dma semaphore(%dma_wait3A_689 : memref<!tpu.dma_semaphore, #tpu.memory_space<semaphore_mem>>) src(%dma_wait3A_681 : memref<128x64xf32, #tpu.memory_space<vmem>>) dst(%dma_wait3A_687 : memref<8192x64xf32, #tpu.memory_space<vmem_shared>>)
      %add3A_690 = arith.constant 3 : i32
      %add3A_691 = arith.addi %add3A_646, %add3A_690 : i32
      %lt3A = arith.constant 32 : i32
      %lt3A_692 = arith.cmpi slt, %add3A_691, %lt3A : i32
      %convert_element_type3A = arith.extui %lt3A_692 : i1 to i32
      %cond3A = arith.constant 0 : i32
      %cond3A_693 = arith.cmpi ne, %convert_element_type3A, %cond3A : i32
      scf.if %cond3A_693 {
        %dma_start3A_802 = arith.constant 0 : i32
        %dma_start3A_803 = arith.constant 0 : i32
        %dma_start3A_804 = arith.constant 0 : i32
        %dma_start3A_805 = arith.constant 0 : i32
        %dma_start3A_806 = tpu.memref_slice %arg11[%dma_start3A_802, %dma_start3A_804, %dma_start3A_805] : memref<3x128x64xf32, #tpu.memory_space<vmem>> -> memref<1x128x64xf32, #tpu.memory_space<vmem>>
        %dma_start3A_807 = tpu.memref_squeeze %dma_start3A_806 : memref<1x128x64xf32, #tpu.memory_space<vmem>> -> memref<128x64xf32, #tpu.memory_space<vmem>>
        %dma_start3A_808 = arith.constant 0 : i32
        %dma_start3A_809 = tpu.memref_slice %arg9[%add3A_691, %dma_start3A_808] : memref<32x128xi32, #tpu.memory_space<vmem>> -> memref<1x128xi32, #tpu.memory_space<vmem>>
        %dma_start3A_810 = tpu.memref_squeeze %dma_start3A_809 : memref<1x128xi32, #tpu.memory_space<vmem>> -> memref<128xi32, #tpu.memory_space<vmem>>
        %dma_start3A_811 = arith.constant 0 : i32
        %dma_start3A_812 = arith.constant 0 : i32
        %dma_start3A_813 = tpu.memref_slice %arg4[%dma_start3A_811, %dma_start3A_812] : memref<200000x64xf32, #tpu.memory_space<hbm>> -> memref<200000x64xf32, #tpu.memory_space<hbm>>
        %dma_start3A_814 = tpu.memref_slice %arg15[%dma_start3A_803] : memref<3x!tpu.dma_semaphore, #tpu.memory_space<semaphore_mem>> -> memref<1x!tpu.dma_semaphore, #tpu.memory_space<semaphore_mem>>
        %dma_start3A_815 = tpu.memref_squeeze %dma_start3A_814 : memref<1x!tpu.dma_semaphore, #tpu.memory_space<semaphore_mem>> -> memref<!tpu.dma_semaphore, #tpu.memory_space<semaphore_mem>>
        tpu.enqueue_indirect_dma source(%dma_start3A_813 : memref<200000x64xf32, #tpu.memory_space<hbm>>) target(%dma_start3A_807 : memref<128x64xf32, #tpu.memory_space<vmem>>) offsets(%dma_start3A_810 : memref<128xi32, #tpu.memory_space<vmem>>) semaphore(%dma_start3A_815 : memref<!tpu.dma_semaphore, #tpu.memory_space<semaphore_mem>>)
      } else {
      }
      %mul3A_694 = arith.constant 3 : i32
      %mul3A_695 = arith.muli %scan3A_642, %mul3A_694 : i32
      %add3A_696 = arith.constant 1 : i32
      %add3A_697 = arith.addi %mul3A_695, %add3A_696 : i32
      %dma_wait3A_698 = arith.constant 0 : i32
      %dma_wait3A_699 = arith.constant 1 : i32
      %dma_wait3A_700 = arith.constant 1 : i32
      %dma_wait3A_701 = arith.constant 0 : i32
      %dma_wait3A_702 = arith.constant 0 : i32
      %dma_wait3A_703 = tpu.memref_slice %arg11[%dma_wait3A_699, %dma_wait3A_701, %dma_wait3A_702] : memref<3x128x64xf32, #tpu.memory_space<vmem>> -> memref<1x128x64xf32, #tpu.memory_space<vmem>>
      %dma_wait3A_704 = tpu.memref_squeeze %dma_wait3A_703 : memref<1x128x64xf32, #tpu.memory_space<vmem>> -> memref<128x64xf32, #tpu.memory_space<vmem>>
      %dma_wait3A_705 = arith.constant 0 : i32
      %dma_wait3A_706 = tpu.memref_slice %arg9[%dma_wait3A_698, %dma_wait3A_705] : memref<32x128xi32, #tpu.memory_space<vmem>> -> memref<1x128xi32, #tpu.memory_space<vmem>>
      %dma_wait3A_707 = tpu.memref_squeeze %dma_wait3A_706 : memref<1x128xi32, #tpu.memory_space<vmem>> -> memref<128xi32, #tpu.memory_space<vmem>>
      %dma_wait3A_708 = arith.constant 0 : i32
      %dma_wait3A_709 = arith.constant 0 : i32
      %dma_wait3A_710 = tpu.memref_slice %arg4[%dma_wait3A_708, %dma_wait3A_709] : memref<200000x64xf32, #tpu.memory_space<hbm>> -> memref<200000x64xf32, #tpu.memory_space<hbm>>
      %dma_wait3A_711 = tpu.memref_slice %arg15[%dma_wait3A_700] : memref<3x!tpu.dma_semaphore, #tpu.memory_space<semaphore_mem>> -> memref<1x!tpu.dma_semaphore, #tpu.memory_space<semaphore_mem>>
      %dma_wait3A_712 = tpu.memref_squeeze %dma_wait3A_711 : memref<1x!tpu.dma_semaphore, #tpu.memory_space<semaphore_mem>> -> memref<!tpu.dma_semaphore, #tpu.memory_space<semaphore_mem>>
      tpu.wait_indirect_dma semaphore(%dma_wait3A_712 : memref<!tpu.dma_semaphore, #tpu.memory_space<semaphore_mem>>) src(%dma_wait3A_710 : memref<200000x64xf32, #tpu.memory_space<hbm>>) dst(%dma_wait3A_704 : memref<128x64xf32, #tpu.memory_space<vmem>>)
      %dma_start3A_713 = arith.constant 1 : i32
      %dma_start3A_714 = arith.constant 1 : i32
      %dma_start3A_715 = arith.constant 0 : i32
      %dma_start3A_716 = arith.constant 0 : i32
      %dma_start3A_717 = tpu.memref_slice %arg11[%dma_start3A_713, %dma_start3A_715, %dma_start3A_716] : memref<3x128x64xf32, #tpu.memory_space<vmem>> -> memref<1x128x64xf32, #tpu.memory_space<vmem>>
      %dma_start3A_718 = tpu.memref_squeeze %dma_start3A_717 : memref<1x128x64xf32, #tpu.memory_space<vmem>> -> memref<128x64xf32, #tpu.memory_space<vmem>>
      %dma_start3A_719 = arith.constant 0 : i32
      %dma_start3A_720 = tpu.memref_slice %arg10[%add3A_697, %dma_start3A_719] : memref<32x128xi32, #tpu.memory_space<vmem>> -> memref<1x128xi32, #tpu.memory_space<vmem>>
      %dma_start3A_721 = tpu.memref_squeeze %dma_start3A_720 : memref<1x128xi32, #tpu.memory_space<vmem>> -> memref<128xi32, #tpu.memory_space<vmem>>
      %dma_start3A_722 = arith.constant 0 : i32
      %dma_start3A_723 = arith.constant 0 : i32
      %dma_start3A_724 = tpu.memref_slice %arg13[%dma_start3A_722, %dma_start3A_723] : memref<8192x64xf32, #tpu.memory_space<vmem_shared>> -> memref<8192x64xf32, #tpu.memory_space<vmem_shared>>
      %dma_start3A_725 = tpu.memref_slice %arg15[%dma_start3A_714] : memref<3x!tpu.dma_semaphore, #tpu.memory_space<semaphore_mem>> -> memref<1x!tpu.dma_semaphore, #tpu.memory_space<semaphore_mem>>
      %dma_start3A_726 = tpu.memref_squeeze %dma_start3A_725 : memref<1x!tpu.dma_semaphore, #tpu.memory_space<semaphore_mem>> -> memref<!tpu.dma_semaphore, #tpu.memory_space<semaphore_mem>>
      tpu.enqueue_indirect_dma source(%dma_start3A_718 : memref<128x64xf32, #tpu.memory_space<vmem>>) target(%dma_start3A_724 : memref<8192x64xf32, #tpu.memory_space<vmem_shared>>) offsets(%dma_start3A_721 : memref<128xi32, #tpu.memory_space<vmem>>) semaphore(%dma_start3A_726 : memref<!tpu.dma_semaphore, #tpu.memory_space<semaphore_mem>>) {add = true}
      %dma_wait3A_727 = arith.constant 1 : i32
      %dma_wait3A_728 = arith.constant 1 : i32
      %dma_wait3A_729 = arith.constant 0 : i32
      %dma_wait3A_730 = arith.constant 0 : i32
      %dma_wait3A_731 = tpu.memref_slice %arg11[%dma_wait3A_727, %dma_wait3A_729, %dma_wait3A_730] : memref<3x128x64xf32, #tpu.memory_space<vmem>> -> memref<1x128x64xf32, #tpu.memory_space<vmem>>
      %dma_wait3A_732 = tpu.memref_squeeze %dma_wait3A_731 : memref<1x128x64xf32, #tpu.memory_space<vmem>> -> memref<128x64xf32, #tpu.memory_space<vmem>>
      %dma_wait3A_733 = arith.constant 0 : i32
      %dma_wait3A_734 = tpu.memref_slice %arg10[%add3A_697, %dma_wait3A_733] : memref<32x128xi32, #tpu.memory_space<vmem>> -> memref<1x128xi32, #tpu.memory_space<vmem>>
      %dma_wait3A_735 = tpu.memref_squeeze %dma_wait3A_734 : memref<1x128xi32, #tpu.memory_space<vmem>> -> memref<128xi32, #tpu.memory_space<vmem>>
      %dma_wait3A_736 = arith.constant 0 : i32
      %dma_wait3A_737 = arith.constant 0 : i32
      %dma_wait3A_738 = tpu.memref_slice %arg13[%dma_wait3A_736, %dma_wait3A_737] : memref<8192x64xf32, #tpu.memory_space<vmem_shared>> -> memref<8192x64xf32, #tpu.memory_space<vmem_shared>>
      %dma_wait3A_739 = tpu.memref_slice %arg15[%dma_wait3A_728] : memref<3x!tpu.dma_semaphore, #tpu.memory_space<semaphore_mem>> -> memref<1x!tpu.dma_semaphore, #tpu.memory_space<semaphore_mem>>
      %dma_wait3A_740 = tpu.memref_squeeze %dma_wait3A_739 : memref<1x!tpu.dma_semaphore, #tpu.memory_space<semaphore_mem>> -> memref<!tpu.dma_semaphore, #tpu.memory_space<semaphore_mem>>
      tpu.wait_indirect_dma semaphore(%dma_wait3A_740 : memref<!tpu.dma_semaphore, #tpu.memory_space<semaphore_mem>>) src(%dma_wait3A_732 : memref<128x64xf32, #tpu.memory_space<vmem>>) dst(%dma_wait3A_738 : memref<8192x64xf32, #tpu.memory_space<vmem_shared>>)
      %add3A_741 = arith.constant 3 : i32
      %add3A_742 = arith.addi %add3A_697, %add3A_741 : i32
      %lt3A_743 = arith.constant 32 : i32
      %lt3A_744 = arith.cmpi slt, %add3A_742, %lt3A_743 : i32
      %convert_element_type3A_745 = arith.extui %lt3A_744 : i1 to i32
      %cond3A_746 = arith.constant 0 : i32
      %cond3A_747 = arith.cmpi ne, %convert_element_type3A_745, %cond3A_746 : i32
      scf.if %cond3A_747 {
        %dma_start3A_802 = arith.constant 1 : i32
        %dma_start3A_803 = arith.constant 1 : i32
        %dma_start3A_804 = arith.constant 0 : i32
        %dma_start3A_805 = arith.constant 0 : i32
        %dma_start3A_806 = tpu.memref_slice %arg11[%dma_start3A_802, %dma_start3A_804, %dma_start3A_805] : memref<3x128x64xf32, #tpu.memory_space<vmem>> -> memref<1x128x64xf32, #tpu.memory_space<vmem>>
        %dma_start3A_807 = tpu.memref_squeeze %dma_start3A_806 : memref<1x128x64xf32, #tpu.memory_space<vmem>> -> memref<128x64xf32, #tpu.memory_space<vmem>>
        %dma_start3A_808 = arith.constant 0 : i32
        %dma_start3A_809 = tpu.memref_slice %arg9[%add3A_742, %dma_start3A_808] : memref<32x128xi32, #tpu.memory_space<vmem>> -> memref<1x128xi32, #tpu.memory_space<vmem>>
        %dma_start3A_810 = tpu.memref_squeeze %dma_start3A_809 : memref<1x128xi32, #tpu.memory_space<vmem>> -> memref<128xi32, #tpu.memory_space<vmem>>
        %dma_start3A_811 = arith.constant 0 : i32
        %dma_start3A_812 = arith.constant 0 : i32
        %dma_start3A_813 = tpu.memref_slice %arg4[%dma_start3A_811, %dma_start3A_812] : memref<200000x64xf32, #tpu.memory_space<hbm>> -> memref<200000x64xf32, #tpu.memory_space<hbm>>
        %dma_start3A_814 = tpu.memref_slice %arg15[%dma_start3A_803] : memref<3x!tpu.dma_semaphore, #tpu.memory_space<semaphore_mem>> -> memref<1x!tpu.dma_semaphore, #tpu.memory_space<semaphore_mem>>
        %dma_start3A_815 = tpu.memref_squeeze %dma_start3A_814 : memref<1x!tpu.dma_semaphore, #tpu.memory_space<semaphore_mem>> -> memref<!tpu.dma_semaphore, #tpu.memory_space<semaphore_mem>>
        tpu.enqueue_indirect_dma source(%dma_start3A_813 : memref<200000x64xf32, #tpu.memory_space<hbm>>) target(%dma_start3A_807 : memref<128x64xf32, #tpu.memory_space<vmem>>) offsets(%dma_start3A_810 : memref<128xi32, #tpu.memory_space<vmem>>) semaphore(%dma_start3A_815 : memref<!tpu.dma_semaphore, #tpu.memory_space<semaphore_mem>>)
      } else {
      }
      %mul3A_748 = arith.constant 3 : i32
      %mul3A_749 = arith.muli %scan3A_642, %mul3A_748 : i32
      %add3A_750 = arith.constant 2 : i32
      %add3A_751 = arith.addi %mul3A_749, %add3A_750 : i32
      %dma_wait3A_752 = arith.constant 0 : i32
      %dma_wait3A_753 = arith.constant 2 : i32
      %dma_wait3A_754 = arith.constant 2 : i32
      %dma_wait3A_755 = arith.constant 0 : i32
      %dma_wait3A_756 = arith.constant 0 : i32
      %dma_wait3A_757 = tpu.memref_slice %arg11[%dma_wait3A_753, %dma_wait3A_755, %dma_wait3A_756] : memref<3x128x64xf32, #tpu.memory_space<vmem>> -> memref<1x128x64xf32, #tpu.memory_space<vmem>>
      %dma_wait3A_758 = tpu.memref_squeeze %dma_wait3A_757 : memref<1x128x64xf32, #tpu.memory_space<vmem>> -> memref<128x64xf32, #tpu.memory_space<vmem>>
      %dma_wait3A_759 = arith.constant 0 : i32
      %dma_wait3A_760 = tpu.memref_slice %arg9[%dma_wait3A_752, %dma_wait3A_759] : memref<32x128xi32, #tpu.memory_space<vmem>> -> memref<1x128xi32, #tpu.memory_space<vmem>>
      %dma_wait3A_761 = tpu.memref_squeeze %dma_wait3A_760 : memref<1x128xi32, #tpu.memory_space<vmem>> -> memref<128xi32, #tpu.memory_space<vmem>>
      %dma_wait3A_762 = arith.constant 0 : i32
      %dma_wait3A_763 = arith.constant 0 : i32
      %dma_wait3A_764 = tpu.memref_slice %arg4[%dma_wait3A_762, %dma_wait3A_763] : memref<200000x64xf32, #tpu.memory_space<hbm>> -> memref<200000x64xf32, #tpu.memory_space<hbm>>
      %dma_wait3A_765 = tpu.memref_slice %arg15[%dma_wait3A_754] : memref<3x!tpu.dma_semaphore, #tpu.memory_space<semaphore_mem>> -> memref<1x!tpu.dma_semaphore, #tpu.memory_space<semaphore_mem>>
      %dma_wait3A_766 = tpu.memref_squeeze %dma_wait3A_765 : memref<1x!tpu.dma_semaphore, #tpu.memory_space<semaphore_mem>> -> memref<!tpu.dma_semaphore, #tpu.memory_space<semaphore_mem>>
      tpu.wait_indirect_dma semaphore(%dma_wait3A_766 : memref<!tpu.dma_semaphore, #tpu.memory_space<semaphore_mem>>) src(%dma_wait3A_764 : memref<200000x64xf32, #tpu.memory_space<hbm>>) dst(%dma_wait3A_758 : memref<128x64xf32, #tpu.memory_space<vmem>>)
      %dma_start3A_767 = arith.constant 2 : i32
      %dma_start3A_768 = arith.constant 2 : i32
      %dma_start3A_769 = arith.constant 0 : i32
      %dma_start3A_770 = arith.constant 0 : i32
      %dma_start3A_771 = tpu.memref_slice %arg11[%dma_start3A_767, %dma_start3A_769, %dma_start3A_770] : memref<3x128x64xf32, #tpu.memory_space<vmem>> -> memref<1x128x64xf32, #tpu.memory_space<vmem>>
      %dma_start3A_772 = tpu.memref_squeeze %dma_start3A_771 : memref<1x128x64xf32, #tpu.memory_space<vmem>> -> memref<128x64xf32, #tpu.memory_space<vmem>>
      %dma_start3A_773 = arith.constant 0 : i32
      %dma_start3A_774 = tpu.memref_slice %arg10[%add3A_751, %dma_start3A_773] : memref<32x128xi32, #tpu.memory_space<vmem>> -> memref<1x128xi32, #tpu.memory_space<vmem>>
      %dma_start3A_775 = tpu.memref_squeeze %dma_start3A_774 : memref<1x128xi32, #tpu.memory_space<vmem>> -> memref<128xi32, #tpu.memory_space<vmem>>
      %dma_start3A_776 = arith.constant 0 : i32
      %dma_start3A_777 = arith.constant 0 : i32
      %dma_start3A_778 = tpu.memref_slice %arg13[%dma_start3A_776, %dma_start3A_777] : memref<8192x64xf32, #tpu.memory_space<vmem_shared>> -> memref<8192x64xf32, #tpu.memory_space<vmem_shared>>
      %dma_start3A_779 = tpu.memref_slice %arg15[%dma_start3A_768] : memref<3x!tpu.dma_semaphore, #tpu.memory_space<semaphore_mem>> -> memref<1x!tpu.dma_semaphore, #tpu.memory_space<semaphore_mem>>
      %dma_start3A_780 = tpu.memref_squeeze %dma_start3A_779 : memref<1x!tpu.dma_semaphore, #tpu.memory_space<semaphore_mem>> -> memref<!tpu.dma_semaphore, #tpu.memory_space<semaphore_mem>>
      tpu.enqueue_indirect_dma source(%dma_start3A_772 : memref<128x64xf32, #tpu.memory_space<vmem>>) target(%dma_start3A_778 : memref<8192x64xf32, #tpu.memory_space<vmem_shared>>) offsets(%dma_start3A_775 : memref<128xi32, #tpu.memory_space<vmem>>) semaphore(%dma_start3A_780 : memref<!tpu.dma_semaphore, #tpu.memory_space<semaphore_mem>>) {add = true}
      %dma_wait3A_781 = arith.constant 2 : i32
      %dma_wait3A_782 = arith.constant 2 : i32
      %dma_wait3A_783 = arith.constant 0 : i32
      %dma_wait3A_784 = arith.constant 0 : i32
      %dma_wait3A_785 = tpu.memref_slice %arg11[%dma_wait3A_781, %dma_wait3A_783, %dma_wait3A_784] : memref<3x128x64xf32, #tpu.memory_space<vmem>> -> memref<1x128x64xf32, #tpu.memory_space<vmem>>
      %dma_wait3A_786 = tpu.memref_squeeze %dma_wait3A_785 : memref<1x128x64xf32, #tpu.memory_space<vmem>> -> memref<128x64xf32, #tpu.memory_space<vmem>>
      %dma_wait3A_787 = arith.constant 0 : i32
      %dma_wait3A_788 = tpu.memref_slice %arg10[%add3A_751, %dma_wait3A_787] : memref<32x128xi32, #tpu.memory_space<vmem>> -> memref<1x128xi32, #tpu.memory_space<vmem>>
      %dma_wait3A_789 = tpu.memref_squeeze %dma_wait3A_788 : memref<1x128xi32, #tpu.memory_space<vmem>> -> memref<128xi32, #tpu.memory_space<vmem>>
      %dma_wait3A_790 = arith.constant 0 : i32
      %dma_wait3A_791 = arith.constant 0 : i32
      %dma_wait3A_792 = tpu.memref_slice %arg13[%dma_wait3A_790, %dma_wait3A_791] : memref<8192x64xf32, #tpu.memory_space<vmem_shared>> -> memref<8192x64xf32, #tpu.memory_space<vmem_shared>>
      %dma_wait3A_793 = tpu.memref_slice %arg15[%dma_wait3A_782] : memref<3x!tpu.dma_semaphore, #tpu.memory_space<semaphore_mem>> -> memref<1x!tpu.dma_semaphore, #tpu.memory_space<semaphore_mem>>
      %dma_wait3A_794 = tpu.memref_squeeze %dma_wait3A_793 : memref<1x!tpu.dma_semaphore, #tpu.memory_space<semaphore_mem>> -> memref<!tpu.dma_semaphore, #tpu.memory_space<semaphore_mem>>
      tpu.wait_indirect_dma semaphore(%dma_wait3A_794 : memref<!tpu.dma_semaphore, #tpu.memory_space<semaphore_mem>>) src(%dma_wait3A_786 : memref<128x64xf32, #tpu.memory_space<vmem>>) dst(%dma_wait3A_792 : memref<8192x64xf32, #tpu.memory_space<vmem_shared>>)
      %add3A_795 = arith.constant 3 : i32
      %add3A_796 = arith.addi %add3A_751, %add3A_795 : i32
      %lt3A_797 = arith.constant 32 : i32
      %lt3A_798 = arith.cmpi slt, %add3A_796, %lt3A_797 : i32
      %convert_element_type3A_799 = arith.extui %lt3A_798 : i1 to i32
      %cond3A_800 = arith.constant 0 : i32
      %cond3A_801 = arith.cmpi ne, %convert_element_type3A_799, %cond3A_800 : i32
      scf.if %cond3A_801 {
        %dma_start3A_802 = arith.constant 2 : i32
        %dma_start3A_803 = arith.constant 2 : i32
        %dma_start3A_804 = arith.constant 0 : i32
        %dma_start3A_805 = arith.constant 0 : i32
        %dma_start3A_806 = tpu.memref_slice %arg11[%dma_start3A_802, %dma_start3A_804, %dma_start3A_805] : memref<3x128x64xf32, #tpu.memory_space<vmem>> -> memref<1x128x64xf32, #tpu.memory_space<vmem>>
        %dma_start3A_807 = tpu.memref_squeeze %dma_start3A_806 : memref<1x128x64xf32, #tpu.memory_space<vmem>> -> memref<128x64xf32, #tpu.memory_space<vmem>>
        %dma_start3A_808 = arith.constant 0 : i32
        %dma_start3A_809 = tpu.memref_slice %arg9[%add3A_796, %dma_start3A_808] : memref<32x128xi32, #tpu.memory_space<vmem>> -> memref<1x128xi32, #tpu.memory_space<vmem>>
        %dma_start3A_810 = tpu.memref_squeeze %dma_start3A_809 : memref<1x128xi32, #tpu.memory_space<vmem>> -> memref<128xi32, #tpu.memory_space<vmem>>
        %dma_start3A_811 = arith.constant 0 : i32
        %dma_start3A_812 = arith.constant 0 : i32
        %dma_start3A_813 = tpu.memref_slice %arg4[%dma_start3A_811, %dma_start3A_812] : memref<200000x64xf32, #tpu.memory_space<hbm>> -> memref<200000x64xf32, #tpu.memory_space<hbm>>
        %dma_start3A_814 = tpu.memref_slice %arg15[%dma_start3A_803] : memref<3x!tpu.dma_semaphore, #tpu.memory_space<semaphore_mem>> -> memref<1x!tpu.dma_semaphore, #tpu.memory_space<semaphore_mem>>
        %dma_start3A_815 = tpu.memref_squeeze %dma_start3A_814 : memref<1x!tpu.dma_semaphore, #tpu.memory_space<semaphore_mem>> -> memref<!tpu.dma_semaphore, #tpu.memory_space<semaphore_mem>>
        tpu.enqueue_indirect_dma source(%dma_start3A_813 : memref<200000x64xf32, #tpu.memory_space<hbm>>) target(%dma_start3A_807 : memref<128x64xf32, #tpu.memory_space<vmem>>) offsets(%dma_start3A_810 : memref<128xi32, #tpu.memory_space<vmem>>) semaphore(%dma_start3A_815 : memref<!tpu.dma_semaphore, #tpu.memory_space<semaphore_mem>>)
      } else {
      }
    }
    %scan3A_546 = arith.constant 10 : i32
    %dma_wait3A_547 = arith.constant 0 : i32
    %dma_wait3A_548 = arith.constant 0 : i32
    %dma_wait3A_549 = arith.constant 0 : i32
    %dma_wait3A_550 = arith.constant 0 : i32
    %dma_wait3A_551 = arith.constant 0 : i32
    %dma_wait3A_552 = tpu.memref_slice %arg11[%dma_wait3A_548, %dma_wait3A_550, %dma_wait3A_551] : memref<3x128x64xf32, #tpu.memory_space<vmem>> -> memref<1x128x64xf32, #tpu.memory_space<vmem>>
    %dma_wait3A_553 = tpu.memref_squeeze %dma_wait3A_552 : memref<1x128x64xf32, #tpu.memory_space<vmem>> -> memref<128x64xf32, #tpu.memory_space<vmem>>
    %dma_wait3A_554 = arith.constant 0 : i32
    %dma_wait3A_555 = tpu.memref_slice %arg9[%dma_wait3A_547, %dma_wait3A_554] : memref<32x128xi32, #tpu.memory_space<vmem>> -> memref<1x128xi32, #tpu.memory_space<vmem>>
    %dma_wait3A_556 = tpu.memref_squeeze %dma_wait3A_555 : memref<1x128xi32, #tpu.memory_space<vmem>> -> memref<128xi32, #tpu.memory_space<vmem>>
    %dma_wait3A_557 = arith.constant 0 : i32
    %dma_wait3A_558 = arith.constant 0 : i32
    %dma_wait3A_559 = tpu.memref_slice %arg4[%dma_wait3A_557, %dma_wait3A_558] : memref<200000x64xf32, #tpu.memory_space<hbm>> -> memref<200000x64xf32, #tpu.memory_space<hbm>>
    %dma_wait3A_560 = tpu.memref_slice %arg15[%dma_wait3A_549] : memref<3x!tpu.dma_semaphore, #tpu.memory_space<semaphore_mem>> -> memref<1x!tpu.dma_semaphore, #tpu.memory_space<semaphore_mem>>
    %dma_wait3A_561 = tpu.memref_squeeze %dma_wait3A_560 : memref<1x!tpu.dma_semaphore, #tpu.memory_space<semaphore_mem>> -> memref<!tpu.dma_semaphore, #tpu.memory_space<semaphore_mem>>
    tpu.wait_indirect_dma semaphore(%dma_wait3A_561 : memref<!tpu.dma_semaphore, #tpu.memory_space<semaphore_mem>>) src(%dma_wait3A_559 : memref<200000x64xf32, #tpu.memory_space<hbm>>) dst(%dma_wait3A_553 : memref<128x64xf32, #tpu.memory_space<vmem>>)
    %dma_start3A_562 = arith.constant 0 : i32
    %dma_start3A_563 = arith.constant 30 : i32
    %dma_start3A_564 = arith.constant 0 : i32
    %dma_start3A_565 = arith.constant 0 : i32
    %dma_start3A_566 = arith.constant 0 : i32
    %dma_start3A_567 = tpu.memref_slice %arg11[%dma_start3A_562, %dma_start3A_565, %dma_start3A_566] : memref<3x128x64xf32, #tpu.memory_space<vmem>> -> memref<1x128x64xf32, #tpu.memory_space<vmem>>
    %dma_start3A_568 = tpu.memref_squeeze %dma_start3A_567 : memref<1x128x64xf32, #tpu.memory_space<vmem>> -> memref<128x64xf32, #tpu.memory_space<vmem>>
    %dma_start3A_569 = arith.constant 0 : i32
    %dma_start3A_570 = tpu.memref_slice %arg10[%dma_start3A_563, %dma_start3A_569] : memref<32x128xi32, #tpu.memory_space<vmem>> -> memref<1x128xi32, #tpu.memory_space<vmem>>
    %dma_start3A_571 = tpu.memref_squeeze %dma_start3A_570 : memref<1x128xi32, #tpu.memory_space<vmem>> -> memref<128xi32, #tpu.memory_space<vmem>>
    %dma_start3A_572 = arith.constant 0 : i32
    %dma_start3A_573 = arith.constant 0 : i32
    %dma_start3A_574 = tpu.memref_slice %arg13[%dma_start3A_572, %dma_start3A_573] : memref<8192x64xf32, #tpu.memory_space<vmem_shared>> -> memref<8192x64xf32, #tpu.memory_space<vmem_shared>>
    %dma_start3A_575 = tpu.memref_slice %arg15[%dma_start3A_564] : memref<3x!tpu.dma_semaphore, #tpu.memory_space<semaphore_mem>> -> memref<1x!tpu.dma_semaphore, #tpu.memory_space<semaphore_mem>>
    %dma_start3A_576 = tpu.memref_squeeze %dma_start3A_575 : memref<1x!tpu.dma_semaphore, #tpu.memory_space<semaphore_mem>> -> memref<!tpu.dma_semaphore, #tpu.memory_space<semaphore_mem>>
    tpu.enqueue_indirect_dma source(%dma_start3A_568 : memref<128x64xf32, #tpu.memory_space<vmem>>) target(%dma_start3A_574 : memref<8192x64xf32, #tpu.memory_space<vmem_shared>>) offsets(%dma_start3A_571 : memref<128xi32, #tpu.memory_space<vmem>>) semaphore(%dma_start3A_576 : memref<!tpu.dma_semaphore, #tpu.memory_space<semaphore_mem>>) {add = true}
    %dma_wait3A_577 = arith.constant 0 : i32
    %dma_wait3A_578 = arith.constant 30 : i32
    %dma_wait3A_579 = arith.constant 0 : i32
    %dma_wait3A_580 = arith.constant 0 : i32
    %dma_wait3A_581 = arith.constant 0 : i32
    %dma_wait3A_582 = tpu.memref_slice %arg11[%dma_wait3A_577, %dma_wait3A_580, %dma_wait3A_581] : memref<3x128x64xf32, #tpu.memory_space<vmem>> -> memref<1x128x64xf32, #tpu.memory_space<vmem>>
    %dma_wait3A_583 = tpu.memref_squeeze %dma_wait3A_582 : memref<1x128x64xf32, #tpu.memory_space<vmem>> -> memref<128x64xf32, #tpu.memory_space<vmem>>
    %dma_wait3A_584 = arith.constant 0 : i32
    %dma_wait3A_585 = tpu.memref_slice %arg10[%dma_wait3A_578, %dma_wait3A_584] : memref<32x128xi32, #tpu.memory_space<vmem>> -> memref<1x128xi32, #tpu.memory_space<vmem>>
    %dma_wait3A_586 = tpu.memref_squeeze %dma_wait3A_585 : memref<1x128xi32, #tpu.memory_space<vmem>> -> memref<128xi32, #tpu.memory_space<vmem>>
    %dma_wait3A_587 = arith.constant 0 : i32
    %dma_wait3A_588 = arith.constant 0 : i32
    %dma_wait3A_589 = tpu.memref_slice %arg13[%dma_wait3A_587, %dma_wait3A_588] : memref<8192x64xf32, #tpu.memory_space<vmem_shared>> -> memref<8192x64xf32, #tpu.memory_space<vmem_shared>>
    %dma_wait3A_590 = tpu.memref_slice %arg15[%dma_wait3A_579] : memref<3x!tpu.dma_semaphore, #tpu.memory_space<semaphore_mem>> -> memref<1x!tpu.dma_semaphore, #tpu.memory_space<semaphore_mem>>
    %dma_wait3A_591 = tpu.memref_squeeze %dma_wait3A_590 : memref<1x!tpu.dma_semaphore, #tpu.memory_space<semaphore_mem>> -> memref<!tpu.dma_semaphore, #tpu.memory_space<semaphore_mem>>
    tpu.wait_indirect_dma semaphore(%dma_wait3A_591 : memref<!tpu.dma_semaphore, #tpu.memory_space<semaphore_mem>>) src(%dma_wait3A_583 : memref<128x64xf32, #tpu.memory_space<vmem>>) dst(%dma_wait3A_589 : memref<8192x64xf32, #tpu.memory_space<vmem_shared>>)
    %dma_wait3A_592 = arith.constant 0 : i32
    %dma_wait3A_593 = arith.constant 1 : i32
    %dma_wait3A_594 = arith.constant 1 : i32
    %dma_wait3A_595 = arith.constant 0 : i32
    %dma_wait3A_596 = arith.constant 0 : i32
    %dma_wait3A_597 = tpu.memref_slice %arg11[%dma_wait3A_593, %dma_wait3A_595, %dma_wait3A_596] : memref<3x128x64xf32, #tpu.memory_space<vmem>> -> memref<1x128x64xf32, #tpu.memory_space<vmem>>
    %dma_wait3A_598 = tpu.memref_squeeze %dma_wait3A_597 : memref<1x128x64xf32, #tpu.memory_space<vmem>> -> memref<128x64xf32, #tpu.memory_space<vmem>>
    %dma_wait3A_599 = arith.constant 0 : i32
    %dma_wait3A_600 = tpu.memref_slice %arg9[%dma_wait3A_592, %dma_wait3A_599] : memref<32x128xi32, #tpu.memory_space<vmem>> -> memref<1x128xi32, #tpu.memory_space<vmem>>
    %dma_wait3A_601 = tpu.memref_squeeze %dma_wait3A_600 : memref<1x128xi32, #tpu.memory_space<vmem>> -> memref<128xi32, #tpu.memory_space<vmem>>
    %dma_wait3A_602 = arith.constant 0 : i32
    %dma_wait3A_603 = arith.constant 0 : i32
    %dma_wait3A_604 = tpu.memref_slice %arg4[%dma_wait3A_602, %dma_wait3A_603] : memref<200000x64xf32, #tpu.memory_space<hbm>> -> memref<200000x64xf32, #tpu.memory_space<hbm>>
    %dma_wait3A_605 = tpu.memref_slice %arg15[%dma_wait3A_594] : memref<3x!tpu.dma_semaphore, #tpu.memory_space<semaphore_mem>> -> memref<1x!tpu.dma_semaphore, #tpu.memory_space<semaphore_mem>>
    %dma_wait3A_606 = tpu.memref_squeeze %dma_wait3A_605 : memref<1x!tpu.dma_semaphore, #tpu.memory_space<semaphore_mem>> -> memref<!tpu.dma_semaphore, #tpu.memory_space<semaphore_mem>>
    tpu.wait_indirect_dma semaphore(%dma_wait3A_606 : memref<!tpu.dma_semaphore, #tpu.memory_space<semaphore_mem>>) src(%dma_wait3A_604 : memref<200000x64xf32, #tpu.memory_space<hbm>>) dst(%dma_wait3A_598 : memref<128x64xf32, #tpu.memory_space<vmem>>)
    %dma_start3A_607 = arith.constant 1 : i32
    %dma_start3A_608 = arith.constant 31 : i32
    %dma_start3A_609 = arith.constant 1 : i32
    %dma_start3A_610 = arith.constant 0 : i32
    %dma_start3A_611 = arith.constant 0 : i32
    %dma_start3A_612 = tpu.memref_slice %arg11[%dma_start3A_607, %dma_start3A_610, %dma_start3A_611] : memref<3x128x64xf32, #tpu.memory_space<vmem>> -> memref<1x128x64xf32, #tpu.memory_space<vmem>>
    %dma_start3A_613 = tpu.memref_squeeze %dma_start3A_612 : memref<1x128x64xf32, #tpu.memory_space<vmem>> -> memref<128x64xf32, #tpu.memory_space<vmem>>
    %dma_start3A_614 = arith.constant 0 : i32
    %dma_start3A_615 = tpu.memref_slice %arg10[%dma_start3A_608, %dma_start3A_614] : memref<32x128xi32, #tpu.memory_space<vmem>> -> memref<1x128xi32, #tpu.memory_space<vmem>>
    %dma_start3A_616 = tpu.memref_squeeze %dma_start3A_615 : memref<1x128xi32, #tpu.memory_space<vmem>> -> memref<128xi32, #tpu.memory_space<vmem>>
    %dma_start3A_617 = arith.constant 0 : i32
    %dma_start3A_618 = arith.constant 0 : i32
    %dma_start3A_619 = tpu.memref_slice %arg13[%dma_start3A_617, %dma_start3A_618] : memref<8192x64xf32, #tpu.memory_space<vmem_shared>> -> memref<8192x64xf32, #tpu.memory_space<vmem_shared>>
    %dma_start3A_620 = tpu.memref_slice %arg15[%dma_start3A_609] : memref<3x!tpu.dma_semaphore, #tpu.memory_space<semaphore_mem>> -> memref<1x!tpu.dma_semaphore, #tpu.memory_space<semaphore_mem>>
    %dma_start3A_621 = tpu.memref_squeeze %dma_start3A_620 : memref<1x!tpu.dma_semaphore, #tpu.memory_space<semaphore_mem>> -> memref<!tpu.dma_semaphore, #tpu.memory_space<semaphore_mem>>
    tpu.enqueue_indirect_dma source(%dma_start3A_613 : memref<128x64xf32, #tpu.memory_space<vmem>>) target(%dma_start3A_619 : memref<8192x64xf32, #tpu.memory_space<vmem_shared>>) offsets(%dma_start3A_616 : memref<128xi32, #tpu.memory_space<vmem>>) semaphore(%dma_start3A_621 : memref<!tpu.dma_semaphore, #tpu.memory_space<semaphore_mem>>) {add = true}
    %dma_wait3A_622 = arith.constant 1 : i32
    %dma_wait3A_623 = arith.constant 31 : i32
    %dma_wait3A_624 = arith.constant 1 : i32
    %dma_wait3A_625 = arith.constant 0 : i32
    %dma_wait3A_626 = arith.constant 0 : i32
    %dma_wait3A_627 = tpu.memref_slice %arg11[%dma_wait3A_622, %dma_wait3A_625, %dma_wait3A_626] : memref<3x128x64xf32, #tpu.memory_space<vmem>> -> memref<1x128x64xf32, #tpu.memory_space<vmem>>
    %dma_wait3A_628 = tpu.memref_squeeze %dma_wait3A_627 : memref<1x128x64xf32, #tpu.memory_space<vmem>> -> memref<128x64xf32, #tpu.memory_space<vmem>>
    %dma_wait3A_629 = arith.constant 0 : i32
    %dma_wait3A_630 = tpu.memref_slice %arg10[%dma_wait3A_623, %dma_wait3A_629] : memref<32x128xi32, #tpu.memory_space<vmem>> -> memref<1x128xi32, #tpu.memory_space<vmem>>
    %dma_wait3A_631 = tpu.memref_squeeze %dma_wait3A_630 : memref<1x128xi32, #tpu.memory_space<vmem>> -> memref<128xi32, #tpu.memory_space<vmem>>
    %dma_wait3A_632 = arith.constant 0 : i32
    %dma_wait3A_633 = arith.constant 0 : i32
    %dma_wait3A_634 = tpu.memref_slice %arg13[%dma_wait3A_632, %dma_wait3A_633] : memref<8192x64xf32, #tpu.memory_space<vmem_shared>> -> memref<8192x64xf32, #tpu.memory_space<vmem_shared>>
    %dma_wait3A_635 = tpu.memref_slice %arg15[%dma_wait3A_624] : memref<3x!tpu.dma_semaphore, #tpu.memory_space<semaphore_mem>> -> memref<1x!tpu.dma_semaphore, #tpu.memory_space<semaphore_mem>>
    %dma_wait3A_636 = tpu.memref_squeeze %dma_wait3A_635 : memref<1x!tpu.dma_semaphore, #tpu.memory_space<semaphore_mem>> -> memref<!tpu.dma_semaphore, #tpu.memory_space<semaphore_mem>>
    tpu.wait_indirect_dma semaphore(%dma_wait3A_636 : memref<!tpu.dma_semaphore, #tpu.memory_space<semaphore_mem>>) src(%dma_wait3A_628 : memref<128x64xf32, #tpu.memory_space<vmem>>) dst(%dma_wait3A_634 : memref<8192x64xf32, #tpu.memory_space<vmem_shared>>)
    %barrier3A_637 = arith.constant 0 : index
    tpu.barrier barrier_id(%barrier3A_637)
    %mul3A_638 = arith.constant 512 : i32
    %mul3A_639 = arith.muli %arg1, %mul3A_638 : i32
    %mul3A_640 = arith.constant 512 : i32
    %mul3A_641 = arith.muli %add3A, %mul3A_640 : i32
    "tpu.region"() ({
      %run_scoped3A = tpu.sem_alloc : memref<!tpu.dma_semaphore, #tpu.memory_space<semaphore_mem>>
      %dma_start3A_642 = arith.constant 0 : i32
      %dma_start3A_643 = tpu.memref_slice %arg5[%mul3A_641, %dma_start3A_642] : memref<16384x64xf32, #tpu.memory_space<hbm>> -> memref<512x64xf32, #tpu.memory_space<hbm>>
      %dma_start3A_644 = arith.constant 0 : i32
      %dma_start3A_645 = tpu.memref_slice %arg13[%mul3A_639, %dma_start3A_644] : memref<8192x64xf32, #tpu.memory_space<vmem_shared>> -> memref<512x64xf32, #tpu.memory_space<vmem_shared>>
      tpu.enqueue_dma source(%dma_start3A_645 : memref<512x64xf32, #tpu.memory_space<vmem_shared>>) target(%dma_start3A_643 : memref<512x64xf32, #tpu.memory_space<hbm>>) target_semaphore(%run_scoped3A : memref<!tpu.dma_semaphore, #tpu.memory_space<semaphore_mem>>)
      %dma_wait3A_646 = arith.constant 0 : i32
      %dma_wait3A_647 = tpu.memref_slice %arg5[%mul3A_641, %dma_wait3A_646] : memref<16384x64xf32, #tpu.memory_space<hbm>> -> memref<512x64xf32, #tpu.memory_space<hbm>>
      %dma_wait3A_648 = arith.constant 0 : i32
      %dma_wait3A_649 = tpu.memref_slice %arg13[%mul3A_639, %dma_wait3A_648] : memref<8192x64xf32, #tpu.memory_space<vmem_shared>> -> memref<512x64xf32, #tpu.memory_space<vmem_shared>>
      tpu.wait_dma2 semaphore(%run_scoped3A : memref<!tpu.dma_semaphore, #tpu.memory_space<semaphore_mem>>) src(%dma_wait3A_649 : memref<512x64xf32, #tpu.memory_space<vmem_shared>>) dst(%dma_wait3A_647 : memref<512x64xf32, #tpu.memory_space<hbm>>)
      tpu.yield
    }) : () -> ()
    return
  }
}

</mosaic_0001>

<sc_bundles>
// kernel: kernel.3.cloned.1.call-start
scs
__scs_entry_jumppad:
0x0: {  	(pc) =	sbr.rel $0x88, $3  }
0x1: {  	(tag) =	ssettag $0x0;
	lr =	simm.s32 $0x1  }
0x2: {  	[smem:$0x3F9E] =	sst lr;
	_ =	strace $0xD0000000  }
0x3: {  	_ = 	snop  }
0x4: {  	_ = 	snop  }
0x5: {  	_ = 	snop  }
0x6: {  	_ = 	snop  }
0x7: {  	_ = 	snop  }
__scs_overlays_trampoline_lowered:
0x8: {  	[smem:$0x3FAD] =	sst s0  }
0x9: {  	[smem:$0x3FAE] =	sst s1  }
0xa: {  	[smem:$0x3FAF] =	sst s2  }
0xb: {  	[smem:$0x3FB0] =	sst s3  }
0xc: {  	[smem:$0x3FB1] =	sst s4  }
0xd: {  	[smem:$0x3FB2] =	sst s5  }
0xe: {  	[smem:$0x3FB3] =	sst s6  }
0xf: {  	[smem:$0x3FB4] =	sst s7  }
0x10: {  	[smem:$0x3FB5] =	sst s8  }
0x11: {  	[smem:$0x3FB6] =	sst s9;
	s0 =	simm.s32 @!p0 $0x0  }
0x12: {  	s1 =	sld [smem:$0x3F9C];
	s0 =	simm.s32 @p0 $0x1  }
0x13: {  	[smem:$0x3FB7] =	sst s0;
	s0 =	simm.s32 @!p1 $0x0  }
0x14: {  	s2 =	sld [smem:$0x3F9B];
	s0 =	simm.s32 @p1 $0x1  }
0x15: {  	[smem:$0x3FB8] =	sst s0;
	s0 =	simm.s32 @!p2 $0x0  }
0x16: {  	s3 =	sld [smem:$0x3FDB];
	s0 =	simm.s32 @p2 $0x1  }
0x17: {  	s4 =	simm.s32 $0x1BF5;
	[smem:$0x3FBA] =	sst s0  }
0x18: {  	s0 =	sld [smem:$0x3F9D];
	_ =	swait.ge [sflag:s4], $0x0  }
0x19: {  	s7 =	sld [smem:$0x3F9E]  }
0x1a: {  	s8 =	sadd.s32 $0xFFFFE003, lr  }
0x1b: {  	s9 =	sadd.s32 $0xFFFFFEF7, lr;
	s5 =	simm.s32 $0xFFFFFFFF;
	p2 =	slt.u32 s8, $0xFFFFF086  }
0x1c: {  	p1 =	slt.u32 s9, $0xF7A;
	s5 =	simm.s32 @!p2 $0x0  }
0x1d: {  	s5 =	simm.s32 @p1 $0x1;
	p0 =	seq.s32 s7, s2  }
0x1e: {  	s7 =	smul.u32 @!p0 $0xF7A, s2;
	p2 =	seq.s32 @!p0 s5, $0x0  }
0x1f: {  	s9 =	smul.u32 $0xF7A, s1;
	s8 =	simm.s32 @!p0 $0x1BF5;
	p2 =	por !p2, p0  }
0x20: {  	[sflag:s8] =	ssyncset.s32 @!p0 $0xFFFFF086;
	s6 =	sadd.s32 @!p0 s3, s7;
	s7 =	simm.s32 @!p0 $0x108  }
0x21: {  	s3 =	sadd.s32 s3, s9;
	s6 =	sadd.s32 @!p0 $0x88, s6;
	s7 =	simm.s32 @p2 $0x1082  }
0x22: {  	[simem:s7], [sflag:s8] =	dma.local @!p0 [hbm:s6], $0xF7A  }
0x23: {  	s9 =	sor.u32 $0xD0000000, s2;
	s6 =	simm.s32 $0x108;
	_ =	swait.ge @!p0 [sflag:s8], $0x0  }
0x24: {  	s3 =	sadd.s32 $0x88, s3;
	s6 =	simm.s32 @!p1 $0x1082;
	[sflag:s4] =	ssyncset.s32 $0xFFFFF086  }
0x25: {  	[simem:s6], [sflag:s4] =	dma.local [hbm:s3], $0xF7A  }
0x26: {  	[smem:$0x3F9E] =	sst s1;
	(tag) =	ssettag s2;
	_ =	strace s9  }
0x27: {  	s1 =	sld [smem:$0x3FAE]  }
0x28: {  	s2 =	sld [smem:$0x3FAF]  }
0x29: {  	s4 =	sld [smem:$0x3FB1]  }
0x2a: {  	p0 =	seq.s32 s5, $0x0;
	s5 =	sld [smem:$0x3FB2]  }
0x2b: {  	s6 =	sld [smem:$0x3FB3]  }
0x2c: {  	s7 =	sld [smem:$0x3FB4]  }
0x2d: {  	s3 =	simm.s32 $0x108;
	s8 =	sld [smem:$0x3FB5]  }
0x2e: {  	s3 =	simm.s32 @!p0 $0x1082;
	s9 =	sld [smem:$0x3FB6]  }
0x2f: {  	lr =	sadd.s32 s0, s3;
	s0 =	sld [smem:$0x3FAD]  }
0x30: {  	s3 =	sld [smem:$0x3FB0]  }
0x31: {  	[smem:$0x3FB9] =	sst s10  }
0x32: {  	s10 =	sld [smem:$0x3FB7];
	_ =	sdelay $0x3  }
0x33: {  	p0 =	seq.s32 s10, $0x1;
	s10 =	sld [smem:$0x3FB9];
	_ =	sdelay $0x3  }
0x34: {  	[smem:$0x3FB9] =	sst s10  }
0x35: {  	s10 =	sld [smem:$0x3FB8];
	_ =	sdelay $0x3  }
0x36: {  	p1 =	seq.s32 s10, $0x1;
	s10 =	sld [smem:$0x3FB9];
	_ =	sdelay $0x3  }
0x37: {  	[smem:$0x3FB9] =	sst s10  }
0x38: {  	s10 =	sld [smem:$0x3FBA]  }
0x39: {  	_ = 	snop;
	(pc) =	sbr.ind lr, $3  }
0x3a: {  	_ = 	snop  }
0x3b: {  	_ = 	snop  }
0x3c: {  	p2 =	seq.s32 s10, $0x1;
	s10 =	sld [smem:$0x3FB9]  }
0x3d: {  	_ =	shalt  }
0x3e: {  	_ =	shalt  }
0x3f: {  	_ =	shalt  }
0x40: {  	_ =	shalt  }
0x41: {  	_ =	shalt  }
0x42: {  	_ =	shalt  }
0x43: {  	_ =	shalt  }
0x44: {  	_ =	shalt  }
0x45: {  	_ =	shalt  }
0x46: {  	_ =	shalt  }
0x47: {  	_ =	shalt  }
0x48: {  	_ =	shalt  }
0x49: {  	_ =	shalt  }
0x4a: {  	_ =	shalt  }
0x4b: {  	_ =	shalt  }
0x4c: {  	_ =	shalt  }
0x4d: {  	_ =	shalt  }
0x4e: {  	_ =	shalt  }
0x4f: {  	_ =	shalt  }
0x50: {  	_ =	shalt  }
0x51: {  	_ =	shalt  }
0x52: {  	_ =	shalt  }
0x53: {  	_ =	shalt  }
0x54: {  	_ =	shalt  }
0x55: {  	_ =	shalt  }
0x56: {  	_ =	shalt  }
0x57: {  	_ =	shalt  }
0x58: {  	_ =	shalt  }
0x59: {  	_ =	shalt  }
0x5a: {  	_ =	shalt  }
0x5b: {  	_ =	shalt  }
0x5c: {  	_ =	shalt  }
0x5d: {  	_ =	shalt  }
0x5e: {  	_ =	shalt  }
0x5f: {  	_ =	shalt  }
0x60: {  	_ =	shalt  }
0x61: {  	_ =	shalt  }
0x62: {  	_ =	shalt  }
0x63: {  	_ =	shalt  }
0x64: {  	_ =	shalt  }
0x65: {  	_ =	shalt  }
0x66: {  	_ =	shalt  }
0x67: {  	_ =	shalt  }
0x68: {  	_ =	shalt  }
0x69: {  	_ =	shalt  }
0x6a: {  	_ =	shalt  }
0x6b: {  	_ =	shalt  }
0x6c: {  	_ =	shalt  }
0x6d: {  	_ =	shalt  }
0x6e: {  	_ =	shalt  }
0x6f: {  	_ =	shalt  }
0x70: {  	_ =	shalt  }
0x71: {  	_ =	shalt  }
0x72: {  	_ =	shalt  }
0x73: {  	_ =	shalt  }
0x74: {  	_ =	shalt  }
0x75: {  	_ =	shalt  }
0x76: {  	_ =	shalt  }
0x77: {  	_ =	shalt  }
0x78: {  	_ =	shalt  }
0x79: {  	_ =	shalt  }
0x7a: {  	_ =	shalt  }
0x7b: {  	_ =	shalt  }
0x7c: {  	_ =	shalt  }
0x7d: {  	_ =	shalt  }
0x7e: {  	_ =	shalt  }
0x7f: {  	_ =	shalt  }
0x80: {  	_ =	shalt  }
0x81: {  	_ =	shalt  }
0x82: {  	_ =	shalt  }
0x83: {  	_ =	shalt  }
0x84: {  	_ =	shalt  }
0x85: {  	_ =	shalt  }
0x86: {  	_ =	shalt  }
0x87: {  	_ =	shalt  }
.Lfunc_end0:
.L_simem_size_0:
called_computation_lowered:
.L_overlay_start_0:
0x88: {  	s2 =	sld [smem:$0x3FD9]  }
0x89: {  	s3 =	sld [smem:$0x3FFE];
	_ =	sdelay $0x1  }
0x8a: {  	s1 =	srdreg.scid  }
0x8b: {  	s0 =	sand.u32 $0x1, s1  }
0x8c: {  	s17 =	sshll.u32 s0, $0xA;
	s2 =	sadd.s32 s3, s2  }
0x8d: {  	s2 =	sadd.s32 s2, s17  }
0x8e: {  	[smem:$0x3FC5] =	sst s2  }
0x8f: {  	_ = 	snop  }
0x90: {  	s2 =	sld [smem:$0x3FC9]  }
0x91: {  	s18 =	sld [smem:$0x3FC8]  }
0x92: {  	s4 =	sld [smem:$0x3FD0];
	(tm) =	ssettm $0x1  }
0x93: {  	s5 =	sld [smem:$0x3FFB];
	_ =	sdelay $0x3  }
0x94: {  	_ =	strace s5  }
0x95: {  	s5 =	sld [smem:$0x3FFC];
	_ =	sdelay $0x3  }
0x96: {  	_ =	strace s5  }
0x97: {  	s5 =	sld [smem:$0x3FFD];
	_ =	sdelay $0x3  }
0x98: {  	_ =	strace s5  }
0x99: {  	_ =	strace $0x8FFFFFFF  }
0x9a: {  	s19 =	sld [smem:$0x3FDB];
	_ =	sdelay $0x1  }
0x9b: {  	s6 =	simm.s32 $_scs_section_size  }
0x9c: {  	s7 =	simm.s32 $_size__tile_overlayer_lowered;
	s8 =	simm.s32 $_tile_overlayer_lowered  }
0x9d: {  	s22 =	simm.s32 $0x1BFF;
	s21 =	sshll.u32 s8, $0x1;
	s5 =	sadd.s32 s6, s19  }
0x9e: {  	s9 =	simm.s32 $0x0;
	s20 =	sshll.u32 s7, $0x1;
	s7 =	sadd.s32 s21, s5  }
0x9f: {  	[timem:s9], [sflag:s22] =	dma.local [hbm:s7], s20  }
0xa0: {  	_ =	swait.ge [sflag:s22], s20  }
0xa1: {  	s6 =	ssub.s32 $0x0, s20;
	[sflag:s22] =	ssyncset.done $0x0  }
0xa2: {  	[sflag:s22] =	ssyncadd.s32 s6;
	_ =	sdelay $0x1  }
0xa3: {  	s23 =	simm.s32 $0x1B8B  }
0xa4: {  	_ =	swait.ge [sflag:s23], $0x1  }
0xa5: {  	[sflag:s23] =	ssyncset.done $0x0  }
0xa6: {  	s25 =	simm.s32 $0x1B8E;
	s24 =	sld [smem:$0x3FFE];
	[sflag:s23] =	ssyncadd.s32 $0xFFFFFFFF  }
0xa7: {  	s26 =	simm.s32 $execute0_lowered;
	[smem:$0x3FD2] =	sst s25  }
0xa8: {  	s7 =	sshll.u32 s26, $0x1;
	_ =	strace $0x80000046;
	[dreg:$0x1] =	wrdreg $0xFFFFFFFF  }
0xa9: {  	s28 =	simm.s32 $_size_execute0_lowered;
	s5 =	sadd.s32 s5, s7;
	[dreg:$0x0] =	wrdreg $0x0  }
0xaa: {  	s7 =	sshll.u32 s28, $0x1;
	[dreg:$0x2] =	wrdreg s5  }
0xab: {  	[dreg:$0x3] =	wrdreg s7  }
0xac: {  	[dreg:$0x4] =	wrdreg $0xC0  }
0xad: {  	_ =	task [dreg:s9], $0x5FFFF  }
0xae: {  	[dreg:$0x1] =	wrdreg $0xFFFFFFFF  }
0xaf: {  	[dreg:$0x0] =	wrdreg $0x60  }
0xb0: {  	[dreg:$0x2] =	wrdreg s2  }
0xb1: {  	[dreg:$0x3] =	wrdreg s18  }
0xb2: {  	[dreg:$0x4] =	wrdreg s24  }
0xb3: {  	[dreg:$0x5] =	wrdreg s4  }
0xb4: {  	[dreg:$0x6] =	wrdreg $0x124000  }
0xb5: {  	[dreg:$0x7] =	wrdreg $0x9  }
0xb6: {  	_ =	task.clear_ibuf [dreg:s9], $0x8FFFF;
	_ =	strace $0x90000046  }
0xb7: {  	s29 =	simm.s32 $0x9;
	_ =	strace $0x80000048  }
0xb8: {  	_ =	swait.ge [sflag:s29], $0x1  }
0xb9: {  	[sflag:s29] =	ssyncadd.s32 $0xFFFFFFFF  }
0xba: {  	_ =	strace $0x90000048  }
0xbb: {  	_ =	sfence  }
0xbc: {  	s30 =	sld [smem:$0x0];
	_ =	sdelay $0x2  }
0xbd: {  	s31 =	sshll.u32 s1, $0xD;
	s1 =	sshrl.u32 s1, $0x2  }
0xbe: {  	s3 =	sand.u32 $0x4000, s31;
	s1 =	sadd.s32 s1, s30  }
0xbf: {  	s0 =	sor.u32 s3, s0;
	s1 =	sshll.u32 s1, $0x11  }
0xc0: {  	s0 =	sor.u32 s1, s0  }
0xc1: {  	s0 =	sadd.s32 $0x8F2B, s0  }
0xc2: {  	[sflag:s0] =	ssyncadd.remote.s32 $0x1  }
0xc3: {  	_ =	sfence.sel $0xFFFF  }
0xc4: {  	[dreg:$0x0] =	wrdreg $0xFFFFFFFF;
	(pc) =	sbr.abs _section_cstart, $3  }
0xc5: {  	[dreg:$0x1] =	wrdreg $0xFFFFFFFF  }
0xc6: {  	_ =	task.clear_ibuf [dreg:s9], $0x2FFFF;
	_ =	strace $0x9FFFFFFF  }
0xc7: {  	(tm) =	ssettm $0x7FFFFFFF  }
tec
execute0_lowered:
.L_overlay_start_1:
0x0: {  	(tag) =	ssettag $0x1  }
0x1: {  	s0 =	rddreg [dreg:$0x0]  }
0x2: {  	s1 =	rddreg [dreg:$0x1]  }
0x3: {  	s5 =	rddreg [dreg:$0x2]  }
0x4: {  	s11 =	rddreg [dreg:$0x3]  }
0x5: {  	s2 =	rddreg [dreg:$0x4]  }
0x6: {  	s4 =	simm.s32 $0x0;
	s6 =	srdreg.scid;
	s3 =	stileid.u32  }
0x7: {  	s13 =	simm.s32 $0x6;
	s14 =	simm.s32 $0x80;
	s16 =	simm.s32 $0x400  }
0x8: {  	s23 =	simm.s32 $0x1;
	s24 =	simm.s32 $0x10400;
	s28 =	simm.s32 $0xA400  }
0x9: {  	s30 =	simm.s32 $0xC400;
	s15 =	simm.s32 $0x2;
	s17 =	simm.s32 $0x3  }
0xa: {  	s18 =	simm.s32 $0x4;
	s29 =	simm.s32 $0xA300;
	s31 =	simm.s32 $0xA380  }
0xb: {  	[smem:$0x7FF] =	sst s4;
	s6 =	sand.u32 $0x1, s6;
	s8 =	sshll.u32 s3, $0xA  }
0xc: {  	s5 =	sadd.s32 $0x186E00, s5;
	s25 =	sshll.u32 s3, $0xF;
	s19 =	sshll.u32 s3, $0x9  }
0xd: {  	_ =	strace $0x80000047;
	s7 =	ssub.s32 $0x2, s6;
	s6 =	sshll.u32 s6, $0x9  }
0xe: {  	v1 =	vmov s19;
	s19 =	simm.s32 $0x0;
	s9 =	sshrl.u32 s7, $0x1;
	s10 =	sor.u32 s6, s8  }
0xf: {  	s12 =	ssub.s32 s7, s9;
	s6 =	sshrl.u32 s10, $0x3;
	s7 =	sadd.s32 s25, s2  }
0x10: {  	s26 =	sshll.u32 s10, $0x3;
	s25 =	simm.s32 $0x5;
	s6 =	sadd.s32 s0, s6  }
0x11: {  	v0 =	vlaneseq.u32;
	s8 =	sadd.s32 $0x2000, s7;
	s9 =	sadd.s32 $0x4000, s7;
	s10 =	sadd.s32 $0x6000, s7  }
0x12: {  	v2 =	vimm.f32 $0.0e+00;
	v3 =	vand.u32 $0x7, v0;
	s11 =	sadd.s32 s11, s26;
	s12 =	smax.u32 s12, $0x1;
	s0 =	simm.s32 $0xE400  }
.LBB2_1:
0x13: {  	[tilespmem:s4], [sflag:$0x6] =	stream.linear.gather [hbm4b:s6+s4], $0x200, $0x38;
	[tilespmem:$0x1A400] =	vst v63  }
0x14: {  	_ =	swait.ge [sflag:s13], $0x200  }
0x15: {  	[sflag:s13] =	ssyncset.done $0x0  }
0x16: {  	[sflag:s13] =	ssyncadd.s32 $0xFFFFFE00  }
0x17: {  	v4 =	vld [tilespmem:$0x0]  }
0x18: {  	v5 =	vld [tilespmem:$0x10]  }
0x19: {  	v6 =	vld [tilespmem:$0x20]  }
0x1a: {  	v7 =	vld [tilespmem:$0x30]  }
0x1b: {  	v8 =	vld [tilespmem:$0x40]  }
0x1c: {  	v9 =	vld [tilespmem:$0x50];
	v4 =	vshra.s32 v4, $0x3  }
0x1d: {  	[tilespmem:$0x200] =	vst v4;
	v4 =	vshra.s32 v5, $0x3;
	v5 =	vld [tilespmem:$0x60]  }
0x1e: {  	v44 =	vld [tilespmem:$0x70];
	[tilespmem:$0x210] =	vst v4;
	v4 =	vshra.s32 v6, $0x3  }
0x1f: {  	v45 =	vld [tilespmem:$0x80];
	[tilespmem:$0x220] =	vst v4;
	v4 =	vshra.s32 v7, $0x3  }
0x20: {  	v46 =	vld [tilespmem:$0x90];
	[tilespmem:$0x230] =	vst v4;
	v4 =	vshra.s32 v8, $0x3  }
0x21: {  	v47 =	vld [tilespmem:$0xA0];
	[tilespmem:$0x240] =	vst v4;
	v4 =	vshra.s32 v9, $0x3  }
0x22: {  	[tilespmem:$0x250] =	vst v4;
	v4 =	vshra.s32 v5, $0x3;
	v5 =	vld [tilespmem:$0xB0]  }
0x23: {  	v48 =	vld [tilespmem:$0xC0];
	[tilespmem:$0x260] =	vst v4;
	v4 =	vshra.s32 v44, $0x3  }
0x24: {  	v49 =	vld [tilespmem:$0xD0];
	[tilespmem:$0x270] =	vst v4;
	v4 =	vshra.s32 v45, $0x3  }
0x25: {  	v50 =	vld [tilespmem:$0xE0];
	[tilespmem:$0x280] =	vst v4;
	v4 =	vshra.s32 v46, $0x3  }
0x26: {  	v51 =	vld [tilespmem:$0xF0];
	[tilespmem:$0x290] =	vst v4;
	v4 =	vshra.s32 v47, $0x3  }
0x27: {  	[tilespmem:$0x2A0] =	vst v4;
	v4 =	vshra.s32 v5, $0x3;
	v5 =	vld [tilespmem:$0x100]  }
0x28: {  	v52 =	vld [tilespmem:$0x110];
	[tilespmem:$0x2B0] =	vst v4;
	v4 =	vshra.s32 v48, $0x3  }
0x29: {  	v53 =	vld [tilespmem:$0x120];
	[tilespmem:$0x2C0] =	vst v4;
	v4 =	vshra.s32 v49, $0x3  }
0x2a: {  	v54 =	vld [tilespmem:$0x130];
	[tilespmem:$0x2D0] =	vst v4;
	v4 =	vshra.s32 v50, $0x3  }
0x2b: {  	v55 =	vld [tilespmem:$0x140];
	[tilespmem:$0x2E0] =	vst v4;
	v4 =	vshra.s32 v51, $0x3  }
0x2c: {  	[tilespmem:$0x2F0] =	vst v4;
	v4 =	vshra.s32 v5, $0x3;
	v5 =	vld [tilespmem:$0x150]  }
0x2d: {  	v56 =	vld [tilespmem:$0x160];
	[tilespmem:$0x300] =	vst v4;
	v4 =	vshra.s32 v52, $0x3  }
0x2e: {  	v57 =	vld [tilespmem:$0x170];
	[tilespmem:$0x310] =	vst v4;
	v4 =	vshra.s32 v53, $0x3  }
0x2f: {  	v58 =	vld [tilespmem:$0x180];
	[tilespmem:$0x320] =	vst v4;
	v4 =	vshra.s32 v54, $0x3  }
0x30: {  	v59 =	vld [tilespmem:$0x190];
	[tilespmem:$0x330] =	vst v4;
	v4 =	vshra.s32 v55, $0x3  }
0x31: {  	[tilespmem:$0x340] =	vst v4;
	v4 =	vshra.s32 v5, $0x3;
	v5 =	vld [tilespmem:$0x1A0]  }
0x32: {  	v60 =	vld [tilespmem:$0x1B0];
	[tilespmem:$0x350] =	vst v4;
	v4 =	vshra.s32 v56, $0x3  }
0x33: {  	v61 =	vld [tilespmem:$0x1C0];
	[tilespmem:$0x360] =	vst v4;
	v4 =	vshra.s32 v57, $0x3  }
0x34: {  	v62 =	vld [tilespmem:$0x1D0];
	[tilespmem:$0x370] =	vst v4;
	v4 =	vshra.s32 v58, $0x3  }
0x35: {  	v63 =	vld [tilespmem:$0x1E0];
	[tilespmem:$0x380] =	vst v4;
	v4 =	vshra.s32 v59, $0x3  }
0x36: {  	[tilespmem:$0x390] =	vst v4;
	v4 =	vshra.s32 v5, $0x3;
	v5 =	vld [tilespmem:$0x1F0]  }
0x37: {  	[tilespmem:$0x3A0] =	vst v4;
	v4 =	vshra.s32 v60, $0x3  }
0x38: {  	[tilespmem:$0x3B0] =	vst v4;
	v4 =	vshra.s32 v61, $0x3  }
0x39: {  	[tilespmem:$0x3C0] =	vst v4;
	v4 =	vshra.s32 v62, $0x3  }
0x3a: {  	[tilespmem:$0x3D0] =	vst v4;
	v4 =	vshra.s32 v63, $0x3  }
0x3b: {  	[tilespmem:$0x3E0] =	vst v4;
	v4 =	vshra.s32 v5, $0x3  }
0x3c: {  	s20 =	simm.s32 $0x200;
	[tilespmem:$0x3F0] =	vst v4  }
0x3d: {  	[tilespmem:s16], [sflag:$0x1] =	stream.indirect.gather [hbm4b:s1+s14], $0x40, s20, s14, $0xb8;
	[tilespmem:$0x1A400] =	vst v63  }
0x3e: {  	s26 =	simm.s32 $0x280;
	s21 =	simm.s32 $0x2400  }
0x3f: {  	[tilespmem:s21], [sflag:$0x1] =	stream.indirect.gather [hbm4b:s1+s14], $0x40, s26, s14, $0xb8;
	[tilespmem:$0x1A400] =	vst v63  }
0x40: {  	s22 =	simm.s32 $0x300;
	s20 =	simm.s32 $0x0;
	s26 =	simm.s32 $0x4400  }
0x41: {  	[tilespmem:s26], [sflag:$0x1] =	stream.indirect.gather [hbm4b:s1+s14], $0x40, s22, s14, $0xb8;
	[tilespmem:$0x1A400] =	vst v63  }
0x42: {  	s21 =	simm.s32 $0x100;
	s22 =	simm.s32 $0x380;
	s26 =	simm.s32 $0x6400  }
0x43: {  	[tilespmem:s26], [sflag:$0x1] =	stream.indirect.gather [hbm4b:s1+s14], $0x40, s22, s14, $0xb8;
	[tilespmem:$0x1A400] =	vst v63  }
.LBB2_2:
0x44: {  	p0 =	sne.s32 s21, $0x7F00;
	[tilespmem:s20+$0x10430] =	vst v2;
	s22 =	smov.u32 s21;
	s21 =	sadd.s32 $0x100, s21  }
.Ltmp0:
0x45: {  	[tilespmem:s20+$0x10420] =	vst v2;
	(pc) =	sbr.rel @p0 .LBB2_2-.Ltmp0, $3  }
0x46: {  	[tilespmem:s20+$0x10400] =	vst v2  }
0x47: {  	[tilespmem:s20+$0x10410] =	vst v2;
	_ =	sdelay $0x1  }
0x48: {  	s20 =	sshra.s32 s22, $0x2  }
0x49: {  	[tilespmem:s20+$0x10430] =	vst v2  }
0x4a: {  	[tilespmem:s20+$0x10420] =	vst v2  }
0x4b: {  	[tilespmem:s20+$0x10400] =	vst v2  }
0x4c: {  	[tilespmem:s20+$0x10410] =	vst v2  }
0x4d: {  	[bflag:$0x0] =	sbarrier.arrive $0xFFFF  }
0x4e: {  	_ =	swait.ge [sflag:s23], $0x2000  }
0x4f: {  	[sflag:s23] =	ssyncset.done $0x0  }
0x50: {  	[sflag:s23] =	ssyncadd.s32 $0xFFFFE000  }
0x51: {  	_ =	swait.ge [sflag:s23], $0x2000  }
0x52: {  	[sflag:s23] =	ssyncset.done $0x0  }
0x53: {  	[sflag:s23] =	ssyncadd.s32 $0xFFFFE000  }
0x54: {  	_ =	swait.ge [sflag:s23], $0x2000  }
0x55: {  	[sflag:s23] =	ssyncset.done $0x0  }
0x56: {  	[sflag:s23] =	ssyncadd.s32 $0xFFFFE000  }
0x57: {  	_ =	swait.ge [sflag:s23], $0x2000  }
0x58: {  	s20 =	simm.s32 $0x70;
	[sflag:s23] =	ssyncset.done $0x0  }
0x59: {  	s21 =	simm.s32 $0x9440;
	s22 =	simm.s32 $0x8440;
	[sflag:s23] =	ssyncadd.s32 $0xFFFFE000  }
.LBB2_4:
0x5a: {  	s26 =	sadd.s32 $0xFFFFFF90, s20  }
0x5b: {  	v4 =	vmov s26;
	v5 =	vor.u32 s26, v0  }
0x5c: {  	v5 =	vshrl.u32 v5, $0x3;
	v4 =	vshrl.u32 v4, $0x3  }
0x5d: {  	v4 =	vand.u32 $0x180, v4;
	v6 =	vand.u32 $0x71, v5  }
0x5e: {  	v4 =	vor.u32 v4, v6;
	_ =	sdelay $0x4  }
0x5f: {  	v4 =	vld.idx.msk [tilespmem:v4+s4+$0x0], $0xffff;
	_ =	sdelay $0x4  }
0x60: {  	v4 =	vshll.u32 v4, $0x3  }
0x61: {  	v50 =	vshll.u32 v5, $0x6;
	v4 =	vand.u32 $0x38, v4  }
0x62: {  	v4 =	vor.u32 v50, v4  }
0x63: {  	v4 =	vor.u32 v3, v4;
	_ =	sdelay $0x3  }
0x64: {  	s26 =	sadd.s32 $0xFFFFFFA0, s20  }
0x65: {  	v51 =	vmov s26;
	v7 =	vor.u32 s26, v0;
	v4 =	vld.idx.msk [tilespmem:v4+s16+$0x0], $0xffff  }
0x66: {  	v7 =	vshrl.u32 v7, $0x3;
	v6 =	vshrl.u32 v51, $0x3  }
0x67: {  	v8 =	vand.u32 $0x73, v7;
	v6 =	vand.u32 $0x180, v6  }
0x68: {  	v6 =	vor.u32 v6, v8;
	_ =	sdelay $0x1  }
0x69: {  	v4 =	vshll.u32 v4, $0x1  }
0x6a: {  	[tilespmem:s22+$0xFFFFFFC0] =	vst v4;
	v4 =	vor.u32 v1, v5  }
0x6b: {  	[tilespmem:s21+$0xFFFFFFC0] =	vst v4  }
0x6c: {  	v4 =	vld.idx.msk [tilespmem:v6+s4+$0x0], $0xffff;
	_ =	sdelay $0x4  }
0x6d: {  	v4 =	vshll.u32 v4, $0x3  }
0x6e: {  	v5 =	vshll.u32 v7, $0x6;
	v4 =	vand.u32 $0x38, v4  }
0x6f: {  	v4 =	vor.u32 v5, v4  }
0x70: {  	v4 =	vor.u32 v3, v4;
	_ =	sdelay $0x3  }
0x71: {  	s26 =	sadd.s32 $0xFFFFFFB0, s20  }
0x72: {  	v52 =	vor.u32 s26, v0;
	v5 =	vmov s26;
	v4 =	vld.idx.msk [tilespmem:v4+s16+$0x0], $0xffff  }
0x73: {  	v6 =	vshrl.u32 v52, $0x3;
	v5 =	vshrl.u32 v5, $0x3  }
0x74: {  	v53 =	vand.u32 $0x75, v6;
	v5 =	vand.u32 $0x180, v5  }
0x75: {  	v5 =	vor.u32 v5, v53;
	_ =	sdelay $0x1  }
0x76: {  	v4 =	vshll.u32 v4, $0x1  }
0x77: {  	[tilespmem:s22+$0xFFFFFFD0] =	vst v4;
	v4 =	vor.u32 v1, v7  }
0x78: {  	[tilespmem:s21+$0xFFFFFFD0] =	vst v4  }
0x79: {  	v4 =	vld.idx.msk [tilespmem:v5+s4+$0x0], $0xffff;
	_ =	sdelay $0x4  }
0x7a: {  	v4 =	vshll.u32 v4, $0x3  }
0x7b: {  	v5 =	vshll.u32 v6, $0x6;
	v4 =	vand.u32 $0x38, v4  }
0x7c: {  	v4 =	vor.u32 v5, v4  }
0x7d: {  	v4 =	vor.u32 v3, v4;
	_ =	sdelay $0x3  }
0x7e: {  	s26 =	sadd.s32 $0xFFFFFFC0, s20  }
0x7f: {  	v54 =	vor.u32 s26, v0;
	v5 =	vmov s26;
	v4 =	vld.idx.msk [tilespmem:v4+s16+$0x0], $0xffff  }
0x80: {  	v7 =	vshrl.u32 v54, $0x3;
	v5 =	vshrl.u32 v5, $0x3  }
0x81: {  	v55 =	vand.u32 $0x77, v7;
	v5 =	vand.u32 $0x180, v5  }
0x82: {  	v5 =	vor.u32 v5, v55;
	_ =	sdelay $0x1  }
0x83: {  	v4 =	vshll.u32 v4, $0x1  }
0x84: {  	[tilespmem:s22+$0xFFFFFFE0] =	vst v4;
	v4 =	vor.u32 v1, v6  }
0x85: {  	[tilespmem:s21+$0xFFFFFFE0] =	vst v4  }
0x86: {  	v4 =	vld.idx.msk [tilespmem:v5+s4+$0x0], $0xffff;
	_ =	sdelay $0x4  }
0x87: {  	v4 =	vshll.u32 v4, $0x3  }
0x88: {  	v5 =	vshll.u32 v7, $0x6;
	v4 =	vand.u32 $0x38, v4  }
0x89: {  	v4 =	vor.u32 v5, v4  }
0x8a: {  	v4 =	vor.u32 v3, v4;
	_ =	sdelay $0x3  }
0x8b: {  	s26 =	sadd.s32 $0xFFFFFFD0, s20  }
0x8c: {  	v56 =	vor.u32 s26, v0;
	v5 =	vmov s26;
	v4 =	vld.idx.msk [tilespmem:v4+s16+$0x0], $0xffff  }
0x8d: {  	v6 =	vshrl.u32 v56, $0x3;
	v5 =	vshrl.u32 v5, $0x3  }
0x8e: {  	v57 =	vand.u32 $0x79, v6;
	v5 =	vand.u32 $0x180, v5  }
0x8f: {  	v5 =	vor.u32 v5, v57;
	_ =	sdelay $0x1  }
0x90: {  	v4 =	vshll.u32 v4, $0x1  }
0x91: {  	[tilespmem:s22+$0xFFFFFFF0] =	vst v4;
	v4 =	vor.u32 v1, v7  }
0x92: {  	[tilespmem:s21+$0xFFFFFFF0] =	vst v4  }
0x93: {  	v4 =	vld.idx.msk [tilespmem:v5+s4+$0x0], $0xffff;
	_ =	sdelay $0x4  }
0x94: {  	v4 =	vshll.u32 v4, $0x3  }
0x95: {  	v5 =	vshll.u32 v6, $0x6;
	v4 =	vand.u32 $0x38, v4  }
0x96: {  	v4 =	vor.u32 v5, v4  }
0x97: {  	v4 =	vor.u32 v3, v4;
	_ =	sdelay $0x3  }
0x98: {  	s26 =	sadd.s32 $0xFFFFFFE0, s20  }
0x99: {  	v58 =	vor.u32 s26, v0;
	v5 =	vmov s26;
	v4 =	vld.idx.msk [tilespmem:v4+s16+$0x0], $0xffff  }
0x9a: {  	v7 =	vshrl.u32 v58, $0x3;
	v5 =	vshrl.u32 v5, $0x3  }
0x9b: {  	v59 =	vand.u32 $0x7B, v7;
	v5 =	vand.u32 $0x180, v5  }
0x9c: {  	v5 =	vor.u32 v5, v59;
	_ =	sdelay $0x1  }
0x9d: {  	v4 =	vshll.u32 v4, $0x1  }
0x9e: {  	[tilespmem:s22+$0x0] =	vst v4;
	v4 =	vor.u32 v1, v6  }
0x9f: {  	[tilespmem:s21+$0x0] =	vst v4  }
0xa0: {  	v4 =	vld.idx.msk [tilespmem:v5+s4+$0x0], $0xffff;
	_ =	sdelay $0x4  }
0xa1: {  	v4 =	vshll.u32 v4, $0x3  }
0xa2: {  	v5 =	vshll.u32 v7, $0x6;
	v4 =	vand.u32 $0x38, v4  }
0xa3: {  	v4 =	vor.u32 v5, v4  }
0xa4: {  	v4 =	vor.u32 v3, v4;
	_ =	sdelay $0x3  }
0xa5: {  	s26 =	sadd.s32 $0xFFFFFFF0, s20  }
0xa6: {  	v60 =	vor.u32 s26, v0;
	v5 =	vmov s26;
	v4 =	vld.idx.msk [tilespmem:v4+s16+$0x0], $0xffff  }
0xa7: {  	v6 =	vshrl.u32 v60, $0x3;
	v5 =	vshrl.u32 v5, $0x3  }
0xa8: {  	v61 =	vand.u32 $0x7D, v6;
	v5 =	vand.u32 $0x180, v5  }
0xa9: {  	v5 =	vor.u32 v5, v61;
	_ =	sdelay $0x1  }
0xaa: {  	v4 =	vshll.u32 v4, $0x1  }
0xab: {  	[tilespmem:s22+$0x10] =	vst v4;
	v4 =	vor.u32 v1, v7  }
0xac: {  	[tilespmem:s21+$0x10] =	vst v4  }
0xad: {  	v4 =	vld.idx.msk [tilespmem:v5+s4+$0x0], $0xffff;
	_ =	sdelay $0x4  }
0xae: {  	v4 =	vshll.u32 v4, $0x3  }
0xaf: {  	v5 =	vshll.u32 v6, $0x6;
	v4 =	vand.u32 $0x38, v4  }
0xb0: {  	v4 =	vor.u32 v5, v4  }
0xb1: {  	v4 =	vor.u32 v3, v4;
	_ =	sdelay $0x4  }
0xb2: {  	v62 =	vor.u32 s20, v0;
	v5 =	vmov s20;
	v4 =	vld.idx.msk [tilespmem:v4+s16+$0x0], $0xffff  }
0xb3: {  	v7 =	vshrl.u32 v62, $0x3;
	v5 =	vshrl.u32 v5, $0x3  }
0xb4: {  	v63 =	vand.u32 $0x7F, v7;
	v5 =	vand.u32 $0x180, v5  }
0xb5: {  	v5 =	vor.u32 v5, v63;
	_ =	sdelay $0x1  }
0xb6: {  	v4 =	vshll.u32 v4, $0x1  }
0xb7: {  	[tilespmem:s22+$0x20] =	vst v4;
	v4 =	vor.u32 v1, v6  }
0xb8: {  	[tilespmem:s21+$0x20] =	vst v4  }
0xb9: {  	v4 =	vld.idx.msk [tilespmem:v5+s4+$0x0], $0xffff;
	_ =	sdelay $0x4  }
0xba: {  	v4 =	vshll.u32 v4, $0x3  }
0xbb: {  	v5 =	vshll.u32 v7, $0x6;
	v4 =	vand.u32 $0x38, v4  }
0xbc: {  	v4 =	vor.u32 v5, v4  }
0xbd: {  	v4 =	vor.u32 v3, v4;
	_ =	sdelay $0x4  }
0xbe: {  	v4 =	vld.idx.msk [tilespmem:v4+s16+$0x0], $0xffff;
	_ =	sdelay $0x1  }
0xbf: {  	p0 =	sne.s32 s20, $0xFF0  }
.Ltmp1:
0xc0: {  	_ = 	snop;
	(pc) =	sbr.rel @p0 .LBB2_4-.Ltmp1, $4  }
0xc1: {  	_ = 	snop  }
0xc2: {  	v4 =	vshll.u32 v4, $0x1  }
0xc3: {  	[tilespmem:s22+$0x30] =	vst v4;
	v4 =	vor.u32 v1, v7  }
0xc4: {  	s20 =	sadd.s32 $0x80, s20;
	s22 =	sadd.s32 $0x80, s22;
	[tilespmem:s21+$0x30] =	vst v4;
	s21 =	sadd.s32 $0x80, s21  }
0xc5: {  	[spmem:s7] =	stream.linear.scatter [tilespmem:s24], [sflag:$0x5], $0x2000, $0x38;
	[tilespmem:$0x1A400] =	vst v63  }
0xc6: {  	_ = 	snop  }
0xc7: {  	[spmem:s8] =	stream.linear.scatter [tilespmem:s24], [sflag:$0x5], $0x2000, $0x38;
	[tilespmem:$0x1A400] =	vst v63  }
0xc8: {  	_ = 	snop  }
0xc9: {  	[spmem:s9] =	stream.linear.scatter [tilespmem:s24], [sflag:$0x5], $0x2000, $0x38;
	[tilespmem:$0x1A400] =	vst v63  }
0xca: {  	_ = 	snop  }
0xcb: {  	[spmem:s10] =	stream.linear.scatter [tilespmem:s24], [sflag:$0x5], $0x2000, $0x38;
	[tilespmem:$0x1A400] =	vst v63  }
0xcc: {  	_ =	swait.ge [sflag:s25], $0x2000  }
0xcd: {  	[sflag:s25] =	ssyncset.done $0x0  }
0xce: {  	[sflag:s25] =	ssyncadd.s32 $0xFFFFE000  }
0xcf: {  	_ =	swait.ge [sflag:s25], $0x2000  }
0xd0: {  	[sflag:s25] =	ssyncset.done $0x0  }
0xd1: {  	[sflag:s25] =	ssyncadd.s32 $0xFFFFE000  }
0xd2: {  	_ =	swait.ge [sflag:s25], $0x2000  }
0xd3: {  	[sflag:s25] =	ssyncset.done $0x0  }
0xd4: {  	[sflag:s25] =	ssyncadd.s32 $0xFFFFE000  }
0xd5: {  	_ =	swait.ge [sflag:s25], $0x2000  }
0xd6: {  	[sflag:s25] =	ssyncset.done $0x0  }
0xd7: {  	s20 =	simm.s32 $0x8400;
	[sflag:s25] =	ssyncadd.s32 $0xFFFFE000  }
0xd8: {  	[tilespmem:s28], [sflag:$0x2] =	stream.indirect.gather [hbm4b:s5+s14], $0x40, s20, s14, $0xb8;
	[tilespmem:$0x1A400] =	vst v63  }
0xd9: {  	s26 =	simm.s32 $0x8480  }
0xda: {  	[tilespmem:s30], [sflag:$0x3] =	stream.indirect.gather [hbm4b:s5+s14], $0x40, s26, s14, $0xb8;
	[tilespmem:$0x1A400] =	vst v63  }
0xdb: {  	s21 =	simm.s32 $0x8500  }
0xdc: {  	[tilespmem:s0], [sflag:$0x4] =	stream.indirect.gather [hbm4b:s5+s14], $0x40, s21, s14, $0xb8;
	[tilespmem:$0x1A400] =	vst v63  }
0xdd: {  	_ =	swait.ge [sflag:s15], $0x2000  }
0xde: {  	[sflag:s15] =	ssyncset.done $0x0  }
0xdf: {  	s22 =	simm.s32 $0x9400;
	[sflag:s15] =	ssyncadd.s32 $0xFFFFE000  }
0xe0: {  	[spmem:s2] =	stream.indirect.scatter.add.f32 [tilespmem:s28], [sflag:$0x2], $0x40, s22, s14, $0xb8;
	[tilespmem:$0x1A400] =	vst v63  }
0xe1: {  	_ =	swait.ge [sflag:s15], $0x2000  }
0xe2: {  	[sflag:s15] =	ssyncset.done $0x0  }
0xe3: {  	s26 =	simm.s32 $0x8580;
	[sflag:s15] =	ssyncadd.s32 $0xFFFFE000  }
0xe4: {  	[tilespmem:s28], [sflag:$0x2] =	stream.indirect.gather [hbm4b:s5+s14], $0x40, s26, s14, $0xb8;
	[tilespmem:$0x1A400] =	vst v63  }
0xe5: {  	_ =	swait.ge [sflag:s17], $0x2000  }
0xe6: {  	[sflag:s17] =	ssyncset.done $0x0  }
0xe7: {  	s21 =	simm.s32 $0x9480;
	[sflag:s17] =	ssyncadd.s32 $0xFFFFE000  }
0xe8: {  	[spmem:s2] =	stream.indirect.scatter.add.f32 [tilespmem:s30], [sflag:$0x3], $0x40, s21, s14, $0xb8;
	[tilespmem:$0x1A400] =	vst v63  }
0xe9: {  	_ =	swait.ge [sflag:s17], $0x2000  }
0xea: {  	[sflag:s17] =	ssyncset.done $0x0  }
0xeb: {  	s22 =	simm.s32 $0x8600;
	[sflag:s17] =	ssyncadd.s32 $0xFFFFE000  }
0xec: {  	[tilespmem:s30], [sflag:$0x3] =	stream.indirect.gather [hbm4b:s5+s14], $0x40, s22, s14, $0xb8;
	[tilespmem:$0x1A400] =	vst v63  }
0xed: {  	_ =	swait.ge [sflag:s18], $0x2000  }
0xee: {  	[sflag:s18] =	ssyncset.done $0x0  }
0xef: {  	s26 =	simm.s32 $0x9500;
	[sflag:s18] =	ssyncadd.s32 $0xFFFFE000  }
0xf0: {  	[spmem:s2] =	stream.indirect.scatter.add.f32 [tilespmem:s0], [sflag:$0x4], $0x40, s26, s14, $0xb8;
	[tilespmem:$0x1A400] =	vst v63  }
0xf1: {  	_ =	swait.ge [sflag:s18], $0x2000  }
0xf2: {  	[sflag:s18] =	ssyncset.done $0x0  }
0xf3: {  	s20 =	simm.s32 $0x600;
	s21 =	simm.s32 $0x8680;
	[sflag:s18] =	ssyncadd.s32 $0xFFFFE000  }
.LBB2_6:
0xf4: {  	[tilespmem:s0], [sflag:$0x4] =	stream.indirect.gather [hbm4b:s5+s14], $0x40, s21, s14, $0xb8;
	[tilespmem:$0x1A400] =	vst v63  }
0xf5: {  	s21 =	smov.u32 s20  }
0xf6: {  	p0 =	sne.s32 s20, $0x3000;
	s20 =	sadd.s32 $0x600, s20;
	_ =	swait.ge [sflag:s15], $0x2000  }
0xf7: {  	s21 =	sshra.s32 s21, $0x2;
	[sflag:s15] =	ssyncset.done $0x0  }
0xf8: {  	s22 =	sadd.s32 $0x9400, s21;
	[sflag:s15] =	ssyncadd.s32 $0xFFFFE000  }
0xf9: {  	[spmem:s2] =	stream.indirect.scatter.add.f32 [tilespmem:s28], [sflag:$0x2], $0x40, s22, s14, $0xb8;
	[tilespmem:$0x1A400] =	vst v63  }
0xfa: {  	_ =	swait.ge [sflag:s15], $0x2000  }
0xfb: {  	[sflag:s15] =	ssyncset.done $0x0  }
0xfc: {  	s22 =	sadd.s32 $0x8580, s21;
	[sflag:s15] =	ssyncadd.s32 $0xFFFFE000  }
0xfd: {  	[tilespmem:s28], [sflag:$0x2] =	stream.indirect.gather [hbm4b:s5+s14], $0x40, s22, s14, $0xb8;
	[tilespmem:$0x1A400] =	vst v63  }
0xfe: {  	_ =	swait.ge [sflag:s17], $0x2000  }
0xff: {  	[sflag:s17] =	ssyncset.done $0x0  }
0x100: {  	s22 =	sadd.s32 $0x9480, s21;
	[sflag:s17] =	ssyncadd.s32 $0xFFFFE000  }
0x101: {  	[spmem:s2] =	stream.indirect.scatter.add.f32 [tilespmem:s30], [sflag:$0x3], $0x40, s22, s14, $0xb8;
	[tilespmem:$0x1A400] =	vst v63  }
0x102: {  	_ =	swait.ge [sflag:s17], $0x2000  }
0x103: {  	[sflag:s17] =	ssyncset.done $0x0  }
0x104: {  	s22 =	sadd.s32 $0x8600, s21;
	[sflag:s17] =	ssyncadd.s32 $0xFFFFE000  }
0x105: {  	[tilespmem:s30], [sflag:$0x3] =	stream.indirect.gather [hbm4b:s5+s14], $0x40, s22, s14, $0xb8;
	[tilespmem:$0x1A400] =	vst v63  }
0x106: {  	_ =	swait.ge [sflag:s18], $0x2000  }
0x107: {  	[sflag:s18] =	ssyncset.done $0x0  }
.Ltmp2:
0x108: {  	s22 =	sadd.s32 $0x9500, s21;
	[sflag:s18] =	ssyncadd.s32 $0xFFFFE000;
	(pc) =	sbr.rel @p0 .LBB2_6-.Ltmp2, $4  }
0x109: {  	[spmem:s2] =	stream.indirect.scatter.add.f32 [tilespmem:s0], [sflag:$0x4], $0x40, s22, s14, $0xb8;
	[tilespmem:$0x1A400] =	vst v63  }
0x10a: {  	_ =	swait.ge [sflag:s18], $0x2000  }
0x10b: {  	[sflag:s18] =	ssyncset.done $0x0  }
0x10c: {  	s21 =	sadd.s32 $0x8680, s21;
	[sflag:s18] =	ssyncadd.s32 $0xFFFFE000  }
0x10d: {  	[tilespmem:s0], [sflag:$0x4] =	stream.indirect.gather [hbm4b:s5+s14], $0x40, s21, s14, $0xb8;
	[tilespmem:$0x1A400] =	vst v63  }
0x10e: {  	_ =	swait.ge [sflag:s15], $0x2000  }
0x10f: {  	[sflag:s15] =	ssyncset.done $0x0  }
0x110: {  	s20 =	simm.s32 $0xA180;
	[sflag:s15] =	ssyncadd.s32 $0xFFFFE000  }
0x111: {  	[spmem:s2] =	stream.indirect.scatter.add.f32 [tilespmem:s28], [sflag:$0x2], $0x40, s20, s14, $0xb8;
	[tilespmem:$0x1A400] =	vst v63  }
0x112: {  	_ =	swait.ge [sflag:s15], $0x2000  }
0x113: {  	[sflag:s15] =	ssyncset.done $0x0  }
0x114: {  	s21 =	simm.s32 $0x9300;
	[sflag:s15] =	ssyncadd.s32 $0xFFFFE000  }
0x115: {  	[tilespmem:s28], [sflag:$0x2] =	stream.indirect.gather [hbm4b:s5+s14], $0x40, s21, s14, $0xb8;
	[tilespmem:$0x1A400] =	vst v63  }
0x116: {  	_ =	swait.ge [sflag:s17], $0x2000  }
0x117: {  	[sflag:s17] =	ssyncset.done $0x0  }
0x118: {  	s22 =	simm.s32 $0xA200;
	[sflag:s17] =	ssyncadd.s32 $0xFFFFE000  }
0x119: {  	[spmem:s2] =	stream.indirect.scatter.add.f32 [tilespmem:s30], [sflag:$0x3], $0x40, s22, s14, $0xb8;
	[tilespmem:$0x1A400] =	vst v63  }
0x11a: {  	_ =	swait.ge [sflag:s17], $0x2000  }
0x11b: {  	[sflag:s17] =	ssyncset.done $0x0  }
0x11c: {  	s26 =	simm.s32 $0x9380;
	[sflag:s17] =	ssyncadd.s32 $0xFFFFE000  }
0x11d: {  	[tilespmem:s30], [sflag:$0x3] =	stream.indirect.gather [hbm4b:s5+s14], $0x40, s26, s14, $0xb8;
	[tilespmem:$0x1A400] =	vst v63  }
0x11e: {  	_ =	swait.ge [sflag:s18], $0x2000  }
0x11f: {  	[sflag:s18] =	ssyncset.done $0x0  }
0x120: {  	s21 =	simm.s32 $0xA280;
	[sflag:s18] =	ssyncadd.s32 $0xFFFFE000  }
0x121: {  	[spmem:s2] =	stream.indirect.scatter.add.f32 [tilespmem:s0], [sflag:$0x4], $0x40, s21, s14, $0xb8;
	[tilespmem:$0x1A400] =	vst v63  }
0x122: {  	_ =	swait.ge [sflag:s18], $0x2000  }
0x123: {  	[sflag:s18] =	ssyncset.done $0x0  }
0x124: {  	[sflag:s18] =	ssyncadd.s32 $0xFFFFE000  }
0x125: {  	_ =	swait.ge [sflag:s15], $0x2000  }
0x126: {  	[sflag:s15] =	ssyncset.done $0x0  }
0x127: {  	[sflag:s15] =	ssyncadd.s32 $0xFFFFE000  }
0x128: {  	[spmem:s2] =	stream.indirect.scatter.add.f32 [tilespmem:s28], [sflag:$0x2], $0x40, s29, s14, $0xb8;
	[tilespmem:$0x1A400] =	vst v63  }
0x129: {  	_ =	swait.ge [sflag:s15], $0x2000  }
0x12a: {  	[sflag:s15] =	ssyncset.done $0x0  }
0x12b: {  	[sflag:s15] =	ssyncadd.s32 $0xFFFFE000  }
0x12c: {  	_ =	swait.ge [sflag:s17], $0x2000  }
0x12d: {  	[sflag:s17] =	ssyncset.done $0x0  }
0x12e: {  	[sflag:s17] =	ssyncadd.s32 $0xFFFFE000  }
0x12f: {  	[spmem:s2] =	stream.indirect.scatter.add.f32 [tilespmem:s30], [sflag:$0x3], $0x40, s31, s14, $0xb8;
	[tilespmem:$0x1A400] =	vst v63  }
0x130: {  	_ =	swait.ge [sflag:s17], $0x2000  }
0x131: {  	s19 =	sadd.s32 $0x1, s19;
	s22 =	sshll.u32 s3, $0x6;
	[sflag:s17] =	ssyncset.done $0x0  }
0x132: {  	p0 =	sne.s32 s19, s12;
	s20 =	sor.u32 $0x1C06, s22;
	[sflag:s17] =	ssyncadd.s32 $0xFFFFE000  }
.Ltmp3:
0x133: {  	s26 =	sshrl.u32 s7, $0x3;
	[bflag:$0x0] =	sbarrier.arrive $0xFFFF;
	(pc) =	sbr.rel @p0 .LBB2_1-.Ltmp3, $4  }
0x134: {  	[hbm:s11], [sflag:s20] =	dma.local [spmem:s26], $0x1000  }
0x135: {  	_ =	swait.ge [sflag:s13], $0x1000  }
0x136: {  	[sflag:s13] =	ssyncset.done $0x0  }
0x137: {  	[sflag:s13] =	ssyncadd.s32 $0xFFFFF000  }
0x138: {  	_ =	sfence.sel $0x180000  }
0x139: {  	[bflag:$0x0] =	sbarrier.arrive $0xFFFF  }
0x13a: {  	_ =	strace $0x90000047  }
0x13b: {  	[bflag:$0x2] =	sbarrier.arrive $0xFFFF  }
0x13c: {  	p0 =	sne.s32 s3, $0x0;
	s0 =	rddreg [dreg:$0x5]  }
0x13d: {  	s0 =	sadd.s32 @!p0 $0x100000, s0  }
0x13e: {  	[sflag:s0] =	ssyncadd.tile.s32 @!p0 $0x1;
	_ =	shalt  }
.Lfunc_end2:
_tile_overlayer_lowered:
.L_overlay_start_2:
0x13f: {  	(tag) =	ssettag $0x2  }
0x140: {  	s0 =	rddreg [dreg:$0x0];
	s2 =	stileid.u32  }
0x141: {  	s1 =	rddreg [dreg:$0x1];
	p0 =	sne.s32 s2, $0x0  }
0x142: {  	s3 =	rddreg [dreg:$0x2];
	[bflag:$0x3] =	sbarrier.arrive $0xFFFF;
	s2 =	simm.s32 @!p0 $0x1C06  }
0x143: {  	[timem:s3], [sflag:s2] =	dma.local @!p0 [hbm:s0], s1  }
0x144: {  	s0 =	simm.s32 @!p0 $0x6  }
0x145: {  	_ =	swait.ge @!p0 [sflag:s0], s1  }
0x146: {  	s1 =	ssub.s32 @!p0 $0x0, s1;
	[sflag:s0] =	ssyncset.done @!p0 $0x0  }
0x147: {  	[sflag:s0] =	ssyncadd.s32 @!p0 s1  }
0x148: {  	[bflag:$0x3] =	sbarrier.arrive $0xFFFF  }
0x149: {  	_ =	shalt  }

</sc_bundles>
